<compile_context>
chip_gen: v7x
topology: tpu7x:2x2x1
jax: 0.10.2.dev20260603
libtpu: 0.0.44.dev20260713+nightly
codegen_flags: <defaults>
</compile_context>

<pallas_src>
import functools

import jax
import jax.numpy as jnp
from jax import lax
from jax.experimental import pallas as pl
from jax.experimental.pallas import tpu as pltpu
from jax.experimental.pallas import tpu_sc as plsc

_B = 16384
_NC = 2
_NS = 16
_NW = _NC * _NS
_BPW = _B // _NW
_CHUNK = 128
_NCHUNK = 4 * _BPW // _CHUNK
_SLOTS = 8
_LEAD = 4


def _sc_body(coords_hbm, table_hbm, out_hbm, coords_v, idx_v, table_sh,
             bufs, gsems, wsems, stage_sem):
    cid = lax.axis_index("c")
    sid = lax.axis_index("s")
    wid = sid * _NC + cid
    base = wid * _BPW
    out_base = wid * (4 * _BPW)

    @pl.when(sid == 0)
    def _():
        pltpu.async_copy(table_hbm, table_sh, stage_sem)

    pltpu.sync_copy(coords_hbm.at[pl.ds(3 * base, 3 * _BPW)], coords_v)

    lane = lax.iota(jnp.int32, 16)

    def build(i, carry):
        b16 = i * 16 + lane
        f = b16 * 3
        r = plsc.load_gather(coords_v, [f])
        c = plsc.load_gather(coords_v, [f + 1])
        z = plsc.load_gather(coords_v, [f + 2])
        p = b16 * 4
        for off, val in ((0, 2 * r), (1, 2 * c), (2, 2 * z), (3, 2 * z + 1)):
            plsc.store_scatter(idx_v, [p + off], val)
        return carry

    lax.fori_loop(0, _BPW // 16, build, 0)

    @pl.when(sid == 0)
    def _():
        pltpu.make_async_copy(table_hbm, table_sh, stage_sem).wait()

    plsc.subcore_barrier()

    def gather(c):
        s = c % _SLOTS
        return pltpu.async_copy(
            table_sh.at[idx_v.at[pl.ds(c * _CHUNK, _CHUNK)]],
            bufs[s], gsems[s])

    def write(c):
        s = c % _SLOTS
        return pltpu.async_copy(
            bufs[s], out_hbm.at[pl.ds(out_base + c * _CHUNK, _CHUNK)],
            wsems[s])

    gcp = {}
    wcp = {}
    for c in range(_LEAD):
        gcp[c] = gather(c)
    for c in range(_NCHUNK):
        g = c + _LEAD
        if g < _NCHUNK:
            if g - _SLOTS >= 0:
                wcp[g - _SLOTS].wait()
            gcp[g] = gather(g)
        gcp[c].wait()
        wcp[c] = write(c)
    for c in range(_NCHUNK - _SLOTS, _NCHUNK):
        wcp[c].wait()


_sc_call = functools.partial(
    pl.kernel,
    out_type=jax.ShapeDtypeStruct((4 * _B, 64), jnp.float32),
    mesh=plsc.VectorSubcoreMesh(core_axis_name="c", subcore_axis_name="s"),
    compiler_params=pltpu.CompilerParams(
        needs_layout_passes=False, use_tc_tiling_on_sc=False),
    scratch_types=[
        pltpu.VMEM((3 * _BPW,), jnp.int32),
        pltpu.VMEM((_NCHUNK * _CHUNK,), jnp.int32),
        pltpu.VMEM_SHARED((2 * 1000, 64), jnp.float32),
        [pltpu.VMEM((_CHUNK, 64), jnp.float32) for _ in range(_SLOTS)],
        [pltpu.SemaphoreType.DMA for _ in range(_SLOTS)],
        [pltpu.SemaphoreType.DMA for _ in range(_SLOTS)],
        pltpu.SemaphoreType.DMA,
    ],
)(_sc_body)


@jax.jit
def kernel(spatial_coord, pos_enc):
    table = pos_enc.reshape(2 * 1000, 64)
    out = _sc_call(spatial_coord.reshape(3 * _B), table)
    return out.reshape(_B, 2, 128)

# --- scband reference (transcript-rebuilt; emitter-appended) ---
"""Pipeline reference for scband-spatial-encoding3-d-5162550690438 (READ-ONLY COPY).

The authoritative reference and input builder live on the scoring server;
editing this copy changes nothing except your own understanding.
"""

import jax, jax.numpy as jnp
import numpy as np

CHANNELS = 128
MAX_LEN = 1000
CONCAT = True
BATCH = 16384


def _make_pos_enc():
    X = np.arange(MAX_LEN, dtype=np.float32).reshape(-1, 1) / np.power(
        10000.0, np.arange(0, CHANNELS, 2, dtype=np.float32) / CHANNELS)
    pe = np.zeros((1, MAX_LEN, CHANNELS), dtype=np.float32)
    pe[:, :, 0::2] = np.sin(X)
    pe[:, :, 1::2] = np.cos(X)
    return jnp.asarray(pe)


def setup_inputs(seed: int = 0) -> dict:
    key = jax.random.key(seed)
    spatial_coord = jax.random.randint(key, (BATCH, 3), 0, MAX_LEN, dtype=jnp.int32)
    pos_enc = _make_pos_enc()
    return {"spatial_coord": spatial_coord, "pos_enc": pos_enc}


def reference(spatial_coord, pos_enc):
    # SpatialEncoding3D.forward with concat=True
    row_pos_enc_dim = CHANNELS // 2      # 64
    col_pos_enc_dim = CHANNELS - row_pos_enc_dim  # 64
    z_pos_enc_dim = CHANNELS             # 128
    row_pos_enc = pos_enc[:, spatial_coord[:, 0], :row_pos_enc_dim]  # (1, B, 64)
    col_pos_enc = pos_enc[:, spatial_coord[:, 1], :col_pos_enc_dim]  # (1, B, 64)
    z_pos_enc = pos_enc[:, spatial_coord[:, 2], :z_pos_enc_dim]      # (1, B, 128)
    pe = jnp.concatenate([row_pos_enc, col_pos_enc], axis=-1)        # (1, B, 128)
    pe = jnp.transpose(pe, (1, 0, 2))                                # (B, 1, 128)
    z = jnp.transpose(z_pos_enc, (1, 0, 2))                          # (B, 1, 128)
    out = jnp.concatenate([pe, z], axis=1)                           # (B, 2, 128)
    return out

if __name__ == "__main__":
    import jax
    _d = setup_inputs()
    print(jax.jit(kernel)(*tuple(_d.values())))

</pallas_src>

<mosaic_0001>
#map = affine_map<(d0, d1) -> (0)>
#map1 = affine_map<(d0, d1) -> (0, 0)>
module attributes {stable_mosaic.version = 14 : i64} {
  func.func @_sc_body(%arg0: i32, %arg1: i32, %arg2: memref<49152xi32, #tpu.memory_space<hbm>>, %arg3: memref<2000x64xf32, #tpu.memory_space<hbm>>, %arg4: memref<65536x64xf32, #tpu.memory_space<hbm>>, %arg5: memref<1536xi32, #tpu.memory_space<vmem>>, %arg6: memref<2048xi32, #tpu.memory_space<vmem>>, %arg7: memref<2000x64xf32, #tpu.memory_space<vmem_shared>>, %arg8: memref<128x64xf32, #tpu.memory_space<vmem>>, %arg9: memref<128x64xf32, #tpu.memory_space<vmem>>, %arg10: memref<128x64xf32, #tpu.memory_space<vmem>>, %arg11: memref<128x64xf32, #tpu.memory_space<vmem>>, %arg12: memref<128x64xf32, #tpu.memory_space<vmem>>, %arg13: memref<128x64xf32, #tpu.memory_space<vmem>>, %arg14: memref<128x64xf32, #tpu.memory_space<vmem>>, %arg15: memref<128x64xf32, #tpu.memory_space<vmem>>, %arg16: memref<!tpu.dma_semaphore, #tpu.memory_space<semaphore_mem>>, %arg17: memref<!tpu.dma_semaphore, #tpu.memory_space<semaphore_mem>>, %arg18: memref<!tpu.dma_semaphore, #tpu.memory_space<semaphore_mem>>, %arg19: memref<!tpu.dma_semaphore, #tpu.memory_space<semaphore_mem>>, %arg20: memref<!tpu.dma_semaphore, #tpu.memory_space<semaphore_mem>>, %arg21: memref<!tpu.dma_semaphore, #tpu.memory_space<semaphore_mem>>, %arg22: memref<!tpu.dma_semaphore, #tpu.memory_space<semaphore_mem>>, %arg23: memref<!tpu.dma_semaphore, #tpu.memory_space<semaphore_mem>>, %arg24: memref<!tpu.dma_semaphore, #tpu.memory_space<semaphore_mem>>, %arg25: memref<!tpu.dma_semaphore, #tpu.memory_space<semaphore_mem>>, %arg26: memref<!tpu.dma_semaphore, #tpu.memory_space<semaphore_mem>>, %arg27: memref<!tpu.dma_semaphore, #tpu.memory_space<semaphore_mem>>, %arg28: memref<!tpu.dma_semaphore, #tpu.memory_space<semaphore_mem>>, %arg29: memref<!tpu.dma_semaphore, #tpu.memory_space<semaphore_mem>>, %arg30: memref<!tpu.dma_semaphore, #tpu.memory_space<semaphore_mem>>, %arg31: memref<!tpu.dma_semaphore, #tpu.memory_space<semaphore_mem>>, %arg32: memref<!tpu.dma_semaphore, #tpu.memory_space<semaphore_mem>>) attributes {dimension_semantics = [#tpu.dimension_semantics<core_parallel>, #tpu.dimension_semantics<subcore_parallel>], iteration_bounds = array<i64: 2, 16>, scalar_prefetch = 0 : i64, scratch_operands = 28 : i64, tpu.core_type = #tpu.core_type<sc_vector_subcore>, window_params = [{transform_indices = #map}, {transform_indices = #map1}, {transform_indices = #map1}]} {
    %mul3A = arith.constant 2 : i32
    %mul3A_0 = arith.muli %arg1, %mul3A : i32
    %add3A = arith.addi %mul3A_0, %arg0 : i32
    %mul3A_1 = arith.constant 512 : i32
    %mul3A_2 = arith.muli %add3A, %mul3A_1 : i32
    %mul3A_3 = arith.constant 2048 : i32
    %mul3A_4 = arith.muli %add3A, %mul3A_3 : i32
    %eq3A = arith.constant 0 : i32
    %eq3A_5 = arith.cmpi eq, %arg1, %eq3A : i32
    %convert_element_type3A = arith.extui %eq3A_5 : i1 to i32
    %cond3A = arith.constant 0 : i32
    %cond3A_6 = arith.cmpi ne, %convert_element_type3A, %cond3A : i32
    scf.if %cond3A_6 {
      tpu.enqueue_dma source(%arg3 : memref<2000x64xf32, #tpu.memory_space<hbm>>) target(%arg7 : memref<2000x64xf32, #tpu.memory_space<vmem_shared>>) target_semaphore(%arg32 : memref<!tpu.dma_semaphore, #tpu.memory_space<semaphore_mem>>)
    } else {
    }
    %mul3A_7 = arith.constant 3 : i32
    %mul3A_8 = arith.muli %mul3A_7, %mul3A_2 : i32
    "tpu.region"() ({
      %run_scoped3A = tpu.sem_alloc : memref<!tpu.dma_semaphore, #tpu.memory_space<semaphore_mem>>
      %dma_start3A_337 = tpu.memref_slice %arg2[%mul3A_8] : memref<49152xi32, #tpu.memory_space<hbm>> -> memref<1536xi32, #tpu.memory_space<hbm>>
      %dma_start3A_338 = tpu.memref_slice %arg2[%mul3A_8] : memref<49152xi32, #tpu.memory_space<hbm>> -> memref<1536xi32, #tpu.memory_space<hbm>>
      tpu.enqueue_dma source(%dma_start3A_338 : memref<1536xi32, #tpu.memory_space<hbm>>) target(%arg5 : memref<1536xi32, #tpu.memory_space<vmem>>) target_semaphore(%run_scoped3A : memref<!tpu.dma_semaphore, #tpu.memory_space<semaphore_mem>>)
      %dma_wait3A_339 = tpu.memref_slice %arg2[%mul3A_8] : memref<49152xi32, #tpu.memory_space<hbm>> -> memref<1536xi32, #tpu.memory_space<hbm>>
      %dma_wait3A_340 = tpu.memref_slice %arg2[%mul3A_8] : memref<49152xi32, #tpu.memory_space<hbm>> -> memref<1536xi32, #tpu.memory_space<hbm>>
      tpu.wait_dma2 semaphore(%run_scoped3A : memref<!tpu.dma_semaphore, #tpu.memory_space<semaphore_mem>>) src(%dma_wait3A_340 : memref<1536xi32, #tpu.memory_space<hbm>>) dst(%arg5 : memref<1536xi32, #tpu.memory_space<vmem>>)
      tpu.yield
    }) : () -> ()
    %iota3A = tpu.iota {dimensions = array<i32: 0>} : vector<16xi32>
    %scan3A = arith.constant 0 : i32
    %scan3A_9 = arith.constant 0 : i32
    %scan3A_10 = arith.constant 32 : i32
    %scan3A_11 = arith.addi %scan3A_9, %scan3A_10 : i32
    %scan3A_12 = arith.constant 1 : i32
    scf.for %scan3A_337 = %scan3A_9 to %scan3A_11 step %scan3A_12  : i32 {
      %mul3A_338 = arith.constant 16 : i32
      %mul3A_339 = arith.muli %scan3A_337, %mul3A_338 : i32
      %add3A_340 = vector.broadcast %mul3A_339 : i32 to vector<16xi32>
      %add3A_341 = arith.addi %add3A_340, %iota3A : vector<16xi32>
      %mul3A_342 = arith.constant 3 : i32
      %mul3A_343 = vector.broadcast %mul3A_342 : i32 to vector<16xi32>
      %mul3A_344 = arith.muli %add3A_341, %mul3A_343 : vector<16xi32>
      %gather3A = tpu.vector_load_idx %arg5[%mul3A_344] : memref<1536xi32, #tpu.memory_space<vmem>>[vector<16xi32>], vector<16xi32>,
      %add3A_345 = arith.constant 1 : i32
      %add3A_346 = vector.broadcast %add3A_345 : i32 to vector<16xi32>
      %add3A_347 = arith.addi %mul3A_344, %add3A_346 : vector<16xi32>
      %gather3A_348 = tpu.vector_load_idx %arg5[%add3A_347] : memref<1536xi32, #tpu.memory_space<vmem>>[vector<16xi32>], vector<16xi32>,
      %add3A_349 = arith.constant 2 : i32
      %add3A_350 = vector.broadcast %add3A_349 : i32 to vector<16xi32>
      %add3A_351 = arith.addi %mul3A_344, %add3A_350 : vector<16xi32>
      %gather3A_352 = tpu.vector_load_idx %arg5[%add3A_351] : memref<1536xi32, #tpu.memory_space<vmem>>[vector<16xi32>], vector<16xi32>,
      %mul3A_353 = arith.constant 4 : i32
      %mul3A_354 = vector.broadcast %mul3A_353 : i32 to vector<16xi32>
      %mul3A_355 = arith.muli %add3A_341, %mul3A_354 : vector<16xi32>
      %mul3A_356 = arith.constant 2 : i32
      %mul3A_357 = vector.broadcast %mul3A_356 : i32 to vector<16xi32>
      %mul3A_358 = arith.muli %mul3A_357, %gather3A : vector<16xi32>
      %mul3A_359 = arith.constant 2 : i32
      %mul3A_360 = vector.broadcast %mul3A_359 : i32 to vector<16xi32>
      %mul3A_361 = arith.muli %mul3A_360, %gather3A_348 : vector<16xi32>
      %mul3A_362 = arith.constant 2 : i32
      %mul3A_363 = vector.broadcast %mul3A_362 : i32 to vector<16xi32>
      %mul3A_364 = arith.muli %mul3A_363, %gather3A_352 : vector<16xi32>
      %mul3A_365 = arith.constant 2 : i32
      %mul3A_366 = vector.broadcast %mul3A_365 : i32 to vector<16xi32>
      %mul3A_367 = arith.muli %mul3A_366, %gather3A_352 : vector<16xi32>
      %add3A_368 = arith.constant 1 : i32
      %add3A_369 = vector.broadcast %add3A_368 : i32 to vector<16xi32>
      %add3A_370 = arith.addi %mul3A_367, %add3A_369 : vector<16xi32>
      %add3A_371 = arith.constant 0 : i32
      %add3A_372 = vector.broadcast %add3A_371 : i32 to vector<16xi32>
      %add3A_373 = arith.addi %mul3A_355, %add3A_372 : vector<16xi32>
      tpu.vector_store_idx %arg6[%add3A_373], %mul3A_358 : memref<2048xi32, #tpu.memory_space<vmem>>[vector<16xi32>], vector<16xi32>,
      %add3A_374 = arith.constant 1 : i32
      %add3A_375 = vector.broadcast %add3A_374 : i32 to vector<16xi32>
      %add3A_376 = arith.addi %mul3A_355, %add3A_375 : vector<16xi32>
      tpu.vector_store_idx %arg6[%add3A_376], %mul3A_361 : memref<2048xi32, #tpu.memory_space<vmem>>[vector<16xi32>], vector<16xi32>,
      %add3A_377 = arith.constant 2 : i32
      %add3A_378 = vector.broadcast %add3A_377 : i32 to vector<16xi32>
      %add3A_379 = arith.addi %mul3A_355, %add3A_378 : vector<16xi32>
      tpu.vector_store_idx %arg6[%add3A_379], %mul3A_364 : memref<2048xi32, #tpu.memory_space<vmem>>[vector<16xi32>], vector<16xi32>,
      %add3A_380 = arith.constant 3 : i32
      %add3A_381 = vector.broadcast %add3A_380 : i32 to vector<16xi32>
      %add3A_382 = arith.addi %mul3A_355, %add3A_381 : vector<16xi32>
      tpu.vector_store_idx %arg6[%add3A_382], %add3A_370 : memref<2048xi32, #tpu.memory_space<vmem>>[vector<16xi32>], vector<16xi32>,
    }
    %scan3A_13 = arith.constant 32 : i32
    %eq3A_14 = arith.constant 0 : i32
    %eq3A_15 = arith.cmpi eq, %arg1, %eq3A_14 : i32
    %convert_element_type3A_16 = arith.extui %eq3A_15 : i1 to i32
    %cond3A_17 = arith.constant 0 : i32
    %cond3A_18 = arith.cmpi ne, %convert_element_type3A_16, %cond3A_17 : i32
    scf.if %cond3A_18 {
      tpu.wait_dma2 semaphore(%arg32 : memref<!tpu.dma_semaphore, #tpu.memory_space<semaphore_mem>>) src(%arg3 : memref<2000x64xf32, #tpu.memory_space<hbm>>) dst(%arg7 : memref<2000x64xf32, #tpu.memory_space<vmem_shared>>)
    } else {
    }
    %barrier3A = arith.constant 0 : index
    tpu.barrier barrier_id(%barrier3A)
    %dma_start3A = arith.constant 0 : i32
    %dma_start3A_19 = tpu.memref_slice %arg6[%dma_start3A] : memref<2048xi32, #tpu.memory_space<vmem>> -> memref<128xi32, #tpu.memory_space<vmem>>
    %dma_start3A_20 = arith.constant 0 : i32
    %dma_start3A_21 = arith.constant 0 : i32
    %dma_start3A_22 = tpu.memref_slice %arg7[%dma_start3A_20, %dma_start3A_21] : memref<2000x64xf32, #tpu.memory_space<vmem_shared>> -> memref<2000x64xf32, #tpu.memory_space<vmem_shared>>
    tpu.enqueue_indirect_dma source(%dma_start3A_22 : memref<2000x64xf32, #tpu.memory_space<vmem_shared>>) target(%arg8 : memref<128x64xf32, #tpu.memory_space<vmem>>) offsets(%dma_start3A_19 : memref<128xi32, #tpu.memory_space<vmem>>) semaphore(%arg16 : memref<!tpu.dma_semaphore, #tpu.memory_space<semaphore_mem>>)
    %dma_start3A_23 = arith.constant 128 : i32
    %dma_start3A_24 = tpu.memref_slice %arg6[%dma_start3A_23] : memref<2048xi32, #tpu.memory_space<vmem>> -> memref<128xi32, #tpu.memory_space<vmem>>
    %dma_start3A_25 = arith.constant 0 : i32
    %dma_start3A_26 = arith.constant 0 : i32
    %dma_start3A_27 = tpu.memref_slice %arg7[%dma_start3A_25, %dma_start3A_26] : memref<2000x64xf32, #tpu.memory_space<vmem_shared>> -> memref<2000x64xf32, #tpu.memory_space<vmem_shared>>
    tpu.enqueue_indirect_dma source(%dma_start3A_27 : memref<2000x64xf32, #tpu.memory_space<vmem_shared>>) target(%arg9 : memref<128x64xf32, #tpu.memory_space<vmem>>) offsets(%dma_start3A_24 : memref<128xi32, #tpu.memory_space<vmem>>) semaphore(%arg17 : memref<!tpu.dma_semaphore, #tpu.memory_space<semaphore_mem>>)
    %dma_start3A_28 = arith.constant 256 : i32
    %dma_start3A_29 = tpu.memref_slice %arg6[%dma_start3A_28] : memref<2048xi32, #tpu.memory_space<vmem>> -> memref<128xi32, #tpu.memory_space<vmem>>
    %dma_start3A_30 = arith.constant 0 : i32
    %dma_start3A_31 = arith.constant 0 : i32
    %dma_start3A_32 = tpu.memref_slice %arg7[%dma_start3A_30, %dma_start3A_31] : memref<2000x64xf32, #tpu.memory_space<vmem_shared>> -> memref<2000x64xf32, #tpu.memory_space<vmem_shared>>
    tpu.enqueue_indirect_dma source(%dma_start3A_32 : memref<2000x64xf32, #tpu.memory_space<vmem_shared>>) target(%arg10 : memref<128x64xf32, #tpu.memory_space<vmem>>) offsets(%dma_start3A_29 : memref<128xi32, #tpu.memory_space<vmem>>) semaphore(%arg18 : memref<!tpu.dma_semaphore, #tpu.memory_space<semaphore_mem>>)
    %dma_start3A_33 = arith.constant 384 : i32
    %dma_start3A_34 = tpu.memref_slice %arg6[%dma_start3A_33] : memref<2048xi32, #tpu.memory_space<vmem>> -> memref<128xi32, #tpu.memory_space<vmem>>
    %dma_start3A_35 = arith.constant 0 : i32
    %dma_start3A_36 = arith.constant 0 : i32
    %dma_start3A_37 = tpu.memref_slice %arg7[%dma_start3A_35, %dma_start3A_36] : memref<2000x64xf32, #tpu.memory_space<vmem_shared>> -> memref<2000x64xf32, #tpu.memory_space<vmem_shared>>
    tpu.enqueue_indirect_dma source(%dma_start3A_37 : memref<2000x64xf32, #tpu.memory_space<vmem_shared>>) target(%arg11 : memref<128x64xf32, #tpu.memory_space<vmem>>) offsets(%dma_start3A_34 : memref<128xi32, #tpu.memory_space<vmem>>) semaphore(%arg19 : memref<!tpu.dma_semaphore, #tpu.memory_space<semaphore_mem>>)
    %dma_start3A_38 = arith.constant 512 : i32
    %dma_start3A_39 = tpu.memref_slice %arg6[%dma_start3A_38] : memref<2048xi32, #tpu.memory_space<vmem>> -> memref<128xi32, #tpu.memory_space<vmem>>
    %dma_start3A_40 = arith.constant 0 : i32
    %dma_start3A_41 = arith.constant 0 : i32
    %dma_start3A_42 = tpu.memref_slice %arg7[%dma_start3A_40, %dma_start3A_41] : memref<2000x64xf32, #tpu.memory_space<vmem_shared>> -> memref<2000x64xf32, #tpu.memory_space<vmem_shared>>
    tpu.enqueue_indirect_dma source(%dma_start3A_42 : memref<2000x64xf32, #tpu.memory_space<vmem_shared>>) target(%arg12 : memref<128x64xf32, #tpu.memory_space<vmem>>) offsets(%dma_start3A_39 : memref<128xi32, #tpu.memory_space<vmem>>) semaphore(%arg20 : memref<!tpu.dma_semaphore, #tpu.memory_space<semaphore_mem>>)
    %dma_wait3A = arith.constant 0 : i32
    %dma_wait3A_43 = tpu.memref_slice %arg6[%dma_wait3A] : memref<2048xi32, #tpu.memory_space<vmem>> -> memref<128xi32, #tpu.memory_space<vmem>>
    %dma_wait3A_44 = arith.constant 0 : i32
    %dma_wait3A_45 = arith.constant 0 : i32
    %dma_wait3A_46 = tpu.memref_slice %arg7[%dma_wait3A_44, %dma_wait3A_45] : memref<2000x64xf32, #tpu.memory_space<vmem_shared>> -> memref<2000x64xf32, #tpu.memory_space<vmem_shared>>
    tpu.wait_indirect_dma semaphore(%arg16 : memref<!tpu.dma_semaphore, #tpu.memory_space<semaphore_mem>>) src(%dma_wait3A_46 : memref<2000x64xf32, #tpu.memory_space<vmem_shared>>) dst(%arg8 : memref<128x64xf32, #tpu.memory_space<vmem>>)
    %add3A_47 = arith.constant 0 : i32
    %add3A_48 = arith.addi %mul3A_4, %add3A_47 : i32
    %dma_start3A_49 = arith.constant 0 : i32
    %dma_start3A_50 = tpu.memref_slice %arg4[%add3A_48, %dma_start3A_49] : memref<65536x64xf32, #tpu.memory_space<hbm>> -> memref<128x64xf32, #tpu.memory_space<hbm>>
    %dma_start3A_51 = arith.constant 0 : i32
    %dma_start3A_52 = tpu.memref_slice %arg4[%add3A_48, %dma_start3A_51] : memref<65536x64xf32, #tpu.memory_space<hbm>> -> memref<128x64xf32, #tpu.memory_space<hbm>>
    tpu.enqueue_dma source(%arg8 : memref<128x64xf32, #tpu.memory_space<vmem>>) target(%dma_start3A_52 : memref<128x64xf32, #tpu.memory_space<hbm>>) target_semaphore(%arg24 : memref<!tpu.dma_semaphore, #tpu.memory_space<semaphore_mem>>)
    %dma_start3A_53 = arith.constant 640 : i32
    %dma_start3A_54 = tpu.memref_slice %arg6[%dma_start3A_53] : memref<2048xi32, #tpu.memory_space<vmem>> -> memref<128xi32, #tpu.memory_space<vmem>>
    %dma_start3A_55 = arith.constant 0 : i32
    %dma_start3A_56 = arith.constant 0 : i32
    %dma_start3A_57 = tpu.memref_slice %arg7[%dma_start3A_55, %dma_start3A_56] : memref<2000x64xf32, #tpu.memory_space<vmem_shared>> -> memref<2000x64xf32, #tpu.memory_space<vmem_shared>>
    tpu.enqueue_indirect_dma source(%dma_start3A_57 : memref<2000x64xf32, #tpu.memory_space<vmem_shared>>) target(%arg13 : memref<128x64xf32, #tpu.memory_space<vmem>>) offsets(%dma_start3A_54 : memref<128xi32, #tpu.memory_space<vmem>>) semaphore(%arg21 : memref<!tpu.dma_semaphore, #tpu.memory_space<semaphore_mem>>)
    %dma_wait3A_58 = arith.constant 128 : i32
    %dma_wait3A_59 = tpu.memref_slice %arg6[%dma_wait3A_58] : memref<2048xi32, #tpu.memory_space<vmem>> -> memref<128xi32, #tpu.memory_space<vmem>>
    %dma_wait3A_60 = arith.constant 0 : i32
    %dma_wait3A_61 = arith.constant 0 : i32
    %dma_wait3A_62 = tpu.memref_slice %arg7[%dma_wait3A_60, %dma_wait3A_61] : memref<2000x64xf32, #tpu.memory_space<vmem_shared>> -> memref<2000x64xf32, #tpu.memory_space<vmem_shared>>
    tpu.wait_indirect_dma semaphore(%arg17 : memref<!tpu.dma_semaphore, #tpu.memory_space<semaphore_mem>>) src(%dma_wait3A_62 : memref<2000x64xf32, #tpu.memory_space<vmem_shared>>) dst(%arg9 : memref<128x64xf32, #tpu.memory_space<vmem>>)
    %add3A_63 = arith.constant 128 : i32
    %add3A_64 = arith.addi %mul3A_4, %add3A_63 : i32
    %dma_start3A_65 = arith.constant 0 : i32
    %dma_start3A_66 = tpu.memref_slice %arg4[%add3A_64, %dma_start3A_65] : memref<65536x64xf32, #tpu.memory_space<hbm>> -> memref<128x64xf32, #tpu.memory_space<hbm>>
    %dma_start3A_67 = arith.constant 0 : i32
    %dma_start3A_68 = tpu.memref_slice %arg4[%add3A_64, %dma_start3A_67] : memref<65536x64xf32, #tpu.memory_space<hbm>> -> memref<128x64xf32, #tpu.memory_space<hbm>>
    tpu.enqueue_dma source(%arg9 : memref<128x64xf32, #tpu.memory_space<vmem>>) target(%dma_start3A_68 : memref<128x64xf32, #tpu.memory_space<hbm>>) target_semaphore(%arg25 : memref<!tpu.dma_semaphore, #tpu.memory_space<semaphore_mem>>)
    %dma_start3A_69 = arith.constant 768 : i32
    %dma_start3A_70 = tpu.memref_slice %arg6[%dma_start3A_69] : memref<2048xi32, #tpu.memory_space<vmem>> -> memref<128xi32, #tpu.memory_space<vmem>>
    %dma_start3A_71 = arith.constant 0 : i32
    %dma_start3A_72 = arith.constant 0 : i32
    %dma_start3A_73 = tpu.memref_slice %arg7[%dma_start3A_71, %dma_start3A_72] : memref<2000x64xf32, #tpu.memory_space<vmem_shared>> -> memref<2000x64xf32, #tpu.memory_space<vmem_shared>>
    tpu.enqueue_indirect_dma source(%dma_start3A_73 : memref<2000x64xf32, #tpu.memory_space<vmem_shared>>) target(%arg14 : memref<128x64xf32, #tpu.memory_space<vmem>>) offsets(%dma_start3A_70 : memref<128xi32, #tpu.memory_space<vmem>>) semaphore(%arg22 : memref<!tpu.dma_semaphore, #tpu.memory_space<semaphore_mem>>)
    %dma_wait3A_74 = arith.constant 256 : i32
    %dma_wait3A_75 = tpu.memref_slice %arg6[%dma_wait3A_74] : memref<2048xi32, #tpu.memory_space<vmem>> -> memref<128xi32, #tpu.memory_space<vmem>>
    %dma_wait3A_76 = arith.constant 0 : i32
    %dma_wait3A_77 = arith.constant 0 : i32
    %dma_wait3A_78 = tpu.memref_slice %arg7[%dma_wait3A_76, %dma_wait3A_77] : memref<2000x64xf32, #tpu.memory_space<vmem_shared>> -> memref<2000x64xf32, #tpu.memory_space<vmem_shared>>
    tpu.wait_indirect_dma semaphore(%arg18 : memref<!tpu.dma_semaphore, #tpu.memory_space<semaphore_mem>>) src(%dma_wait3A_78 : memref<2000x64xf32, #tpu.memory_space<vmem_shared>>) dst(%arg10 : memref<128x64xf32, #tpu.memory_space<vmem>>)
    %add3A_79 = arith.constant 256 : i32
    %add3A_80 = arith.addi %mul3A_4, %add3A_79 : i32
    %dma_start3A_81 = arith.constant 0 : i32
    %dma_start3A_82 = tpu.memref_slice %arg4[%add3A_80, %dma_start3A_81] : memref<65536x64xf32, #tpu.memory_space<hbm>> -> memref<128x64xf32, #tpu.memory_space<hbm>>
    %dma_start3A_83 = arith.constant 0 : i32
    %dma_start3A_84 = tpu.memref_slice %arg4[%add3A_80, %dma_start3A_83] : memref<65536x64xf32, #tpu.memory_space<hbm>> -> memref<128x64xf32, #tpu.memory_space<hbm>>
    tpu.enqueue_dma source(%arg10 : memref<128x64xf32, #tpu.memory_space<vmem>>) target(%dma_start3A_84 : memref<128x64xf32, #tpu.memory_space<hbm>>) target_semaphore(%arg26 : memref<!tpu.dma_semaphore, #tpu.memory_space<semaphore_mem>>)
    %dma_start3A_85 = arith.constant 896 : i32
    %dma_start3A_86 = tpu.memref_slice %arg6[%dma_start3A_85] : memref<2048xi32, #tpu.memory_space<vmem>> -> memref<128xi32, #tpu.memory_space<vmem>>
    %dma_start3A_87 = arith.constant 0 : i32
    %dma_start3A_88 = arith.constant 0 : i32
    %dma_start3A_89 = tpu.memref_slice %arg7[%dma_start3A_87, %dma_start3A_88] : memref<2000x64xf32, #tpu.memory_space<vmem_shared>> -> memref<2000x64xf32, #tpu.memory_space<vmem_shared>>
    tpu.enqueue_indirect_dma source(%dma_start3A_89 : memref<2000x64xf32, #tpu.memory_space<vmem_shared>>) target(%arg15 : memref<128x64xf32, #tpu.memory_space<vmem>>) offsets(%dma_start3A_86 : memref<128xi32, #tpu.memory_space<vmem>>) semaphore(%arg23 : memref<!tpu.dma_semaphore, #tpu.memory_space<semaphore_mem>>)
    %dma_wait3A_90 = arith.constant 384 : i32
    %dma_wait3A_91 = tpu.memref_slice %arg6[%dma_wait3A_90] : memref<2048xi32, #tpu.memory_space<vmem>> -> memref<128xi32, #tpu.memory_space<vmem>>
    %dma_wait3A_92 = arith.constant 0 : i32
    %dma_wait3A_93 = arith.constant 0 : i32
    %dma_wait3A_94 = tpu.memref_slice %arg7[%dma_wait3A_92, %dma_wait3A_93] : memref<2000x64xf32, #tpu.memory_space<vmem_shared>> -> memref<2000x64xf32, #tpu.memory_space<vmem_shared>>
    tpu.wait_indirect_dma semaphore(%arg19 : memref<!tpu.dma_semaphore, #tpu.memory_space<semaphore_mem>>) src(%dma_wait3A_94 : memref<2000x64xf32, #tpu.memory_space<vmem_shared>>) dst(%arg11 : memref<128x64xf32, #tpu.memory_space<vmem>>)
    %add3A_95 = arith.constant 384 : i32
    %add3A_96 = arith.addi %mul3A_4, %add3A_95 : i32
    %dma_start3A_97 = arith.constant 0 : i32
    %dma_start3A_98 = tpu.memref_slice %arg4[%add3A_96, %dma_start3A_97] : memref<65536x64xf32, #tpu.memory_space<hbm>> -> memref<128x64xf32, #tpu.memory_space<hbm>>
    %dma_start3A_99 = arith.constant 0 : i32
    %dma_start3A_100 = tpu.memref_slice %arg4[%add3A_96, %dma_start3A_99] : memref<65536x64xf32, #tpu.memory_space<hbm>> -> memref<128x64xf32, #tpu.memory_space<hbm>>
    tpu.enqueue_dma source(%arg11 : memref<128x64xf32, #tpu.memory_space<vmem>>) target(%dma_start3A_100 : memref<128x64xf32, #tpu.memory_space<hbm>>) target_semaphore(%arg27 : memref<!tpu.dma_semaphore, #tpu.memory_space<semaphore_mem>>)
    %dma_wait3A_101 = arith.constant 0 : i32
    %dma_wait3A_102 = tpu.memref_slice %arg4[%add3A_48, %dma_wait3A_101] : memref<65536x64xf32, #tpu.memory_space<hbm>> -> memref<128x64xf32, #tpu.memory_space<hbm>>
    %dma_wait3A_103 = arith.constant 0 : i32
    %dma_wait3A_104 = tpu.memref_slice %arg4[%add3A_48, %dma_wait3A_103] : memref<65536x64xf32, #tpu.memory_space<hbm>> -> memref<128x64xf32, #tpu.memory_space<hbm>>
    tpu.wait_dma2 semaphore(%arg24 : memref<!tpu.dma_semaphore, #tpu.memory_space<semaphore_mem>>) src(%arg8 : memref<128x64xf32, #tpu.memory_space<vmem>>) dst(%dma_wait3A_104 : memref<128x64xf32, #tpu.memory_space<hbm>>)
    %dma_start3A_105 = arith.constant 1024 : i32
    %dma_start3A_106 = tpu.memref_slice %arg6[%dma_start3A_105] : memref<2048xi32, #tpu.memory_space<vmem>> -> memref<128xi32, #tpu.memory_space<vmem>>
    %dma_start3A_107 = arith.constant 0 : i32
    %dma_start3A_108 = arith.constant 0 : i32
    %dma_start3A_109 = tpu.memref_slice %arg7[%dma_start3A_107, %dma_start3A_108] : memref<2000x64xf32, #tpu.memory_space<vmem_shared>> -> memref<2000x64xf32, #tpu.memory_space<vmem_shared>>
    tpu.enqueue_indirect_dma source(%dma_start3A_109 : memref<2000x64xf32, #tpu.memory_space<vmem_shared>>) target(%arg8 : memref<128x64xf32, #tpu.memory_space<vmem>>) offsets(%dma_start3A_106 : memref<128xi32, #tpu.memory_space<vmem>>) semaphore(%arg16 : memref<!tpu.dma_semaphore, #tpu.memory_space<semaphore_mem>>)
    %dma_wait3A_110 = arith.constant 512 : i32
    %dma_wait3A_111 = tpu.memref_slice %arg6[%dma_wait3A_110] : memref<2048xi32, #tpu.memory_space<vmem>> -> memref<128xi32, #tpu.memory_space<vmem>>
    %dma_wait3A_112 = arith.constant 0 : i32
    %dma_wait3A_113 = arith.constant 0 : i32
    %dma_wait3A_114 = tpu.memref_slice %arg7[%dma_wait3A_112, %dma_wait3A_113] : memref<2000x64xf32, #tpu.memory_space<vmem_shared>> -> memref<2000x64xf32, #tpu.memory_space<vmem_shared>>
    tpu.wait_indirect_dma semaphore(%arg20 : memref<!tpu.dma_semaphore, #tpu.memory_space<semaphore_mem>>) src(%dma_wait3A_114 : memref<2000x64xf32, #tpu.memory_space<vmem_shared>>) dst(%arg12 : memref<128x64xf32, #tpu.memory_space<vmem>>)
    %add3A_115 = arith.constant 512 : i32
    %add3A_116 = arith.addi %mul3A_4, %add3A_115 : i32
    %dma_start3A_117 = arith.constant 0 : i32
    %dma_start3A_118 = tpu.memref_slice %arg4[%add3A_116, %dma_start3A_117] : memref<65536x64xf32, #tpu.memory_space<hbm>> -> memref<128x64xf32, #tpu.memory_space<hbm>>
    %dma_start3A_119 = arith.constant 0 : i32
    %dma_start3A_120 = tpu.memref_slice %arg4[%add3A_116, %dma_start3A_119] : memref<65536x64xf32, #tpu.memory_space<hbm>> -> memref<128x64xf32, #tpu.memory_space<hbm>>
    tpu.enqueue_dma source(%arg12 : memref<128x64xf32, #tpu.memory_space<vmem>>) target(%dma_start3A_120 : memref<128x64xf32, #tpu.memory_space<hbm>>) target_semaphore(%arg28 : memref<!tpu.dma_semaphore, #tpu.memory_space<semaphore_mem>>)
    %dma_wait3A_121 = arith.constant 0 : i32
    %dma_wait3A_122 = tpu.memref_slice %arg4[%add3A_64, %dma_wait3A_121] : memref<65536x64xf32, #tpu.memory_space<hbm>> -> memref<128x64xf32, #tpu.memory_space<hbm>>
    %dma_wait3A_123 = arith.constant 0 : i32
    %dma_wait3A_124 = tpu.memref_slice %arg4[%add3A_64, %dma_wait3A_123] : memref<65536x64xf32, #tpu.memory_space<hbm>> -> memref<128x64xf32, #tpu.memory_space<hbm>>
    tpu.wait_dma2 semaphore(%arg25 : memref<!tpu.dma_semaphore, #tpu.memory_space<semaphore_mem>>) src(%arg9 : memref<128x64xf32, #tpu.memory_space<vmem>>) dst(%dma_wait3A_124 : memref<128x64xf32, #tpu.memory_space<hbm>>)
    %dma_start3A_125 = arith.constant 1152 : i32
    %dma_start3A_126 = tpu.memref_slice %arg6[%dma_start3A_125] : memref<2048xi32, #tpu.memory_space<vmem>> -> memref<128xi32, #tpu.memory_space<vmem>>
    %dma_start3A_127 = arith.constant 0 : i32
    %dma_start3A_128 = arith.constant 0 : i32
    %dma_start3A_129 = tpu.memref_slice %arg7[%dma_start3A_127, %dma_start3A_128] : memref<2000x64xf32, #tpu.memory_space<vmem_shared>> -> memref<2000x64xf32, #tpu.memory_space<vmem_shared>>
    tpu.enqueue_indirect_dma source(%dma_start3A_129 : memref<2000x64xf32, #tpu.memory_space<vmem_shared>>) target(%arg9 : memref<128x64xf32, #tpu.memory_space<vmem>>) offsets(%dma_start3A_126 : memref<128xi32, #tpu.memory_space<vmem>>) semaphore(%arg17 : memref<!tpu.dma_semaphore, #tpu.memory_space<semaphore_mem>>)
    %dma_wait3A_130 = arith.constant 640 : i32
    %dma_wait3A_131 = tpu.memref_slice %arg6[%dma_wait3A_130] : memref<2048xi32, #tpu.memory_space<vmem>> -> memref<128xi32, #tpu.memory_space<vmem>>
    %dma_wait3A_132 = arith.constant 0 : i32
    %dma_wait3A_133 = arith.constant 0 : i32
    %dma_wait3A_134 = tpu.memref_slice %arg7[%dma_wait3A_132, %dma_wait3A_133] : memref<2000x64xf32, #tpu.memory_space<vmem_shared>> -> memref<2000x64xf32, #tpu.memory_space<vmem_shared>>
    tpu.wait_indirect_dma semaphore(%arg21 : memref<!tpu.dma_semaphore, #tpu.memory_space<semaphore_mem>>) src(%dma_wait3A_134 : memref<2000x64xf32, #tpu.memory_space<vmem_shared>>) dst(%arg13 : memref<128x64xf32, #tpu.memory_space<vmem>>)
    %add3A_135 = arith.constant 640 : i32
    %add3A_136 = arith.addi %mul3A_4, %add3A_135 : i32
    %dma_start3A_137 = arith.constant 0 : i32
    %dma_start3A_138 = tpu.memref_slice %arg4[%add3A_136, %dma_start3A_137] : memref<65536x64xf32, #tpu.memory_space<hbm>> -> memref<128x64xf32, #tpu.memory_space<hbm>>
    %dma_start3A_139 = arith.constant 0 : i32
    %dma_start3A_140 = tpu.memref_slice %arg4[%add3A_136, %dma_start3A_139] : memref<65536x64xf32, #tpu.memory_space<hbm>> -> memref<128x64xf32, #tpu.memory_space<hbm>>
    tpu.enqueue_dma source(%arg13 : memref<128x64xf32, #tpu.memory_space<vmem>>) target(%dma_start3A_140 : memref<128x64xf32, #tpu.memory_space<hbm>>) target_semaphore(%arg29 : memref<!tpu.dma_semaphore, #tpu.memory_space<semaphore_mem>>)
    %dma_wait3A_141 = arith.constant 0 : i32
    %dma_wait3A_142 = tpu.memref_slice %arg4[%add3A_80, %dma_wait3A_141] : memref<65536x64xf32, #tpu.memory_space<hbm>> -> memref<128x64xf32, #tpu.memory_space<hbm>>
    %dma_wait3A_143 = arith.constant 0 : i32
    %dma_wait3A_144 = tpu.memref_slice %arg4[%add3A_80, %dma_wait3A_143] : memref<65536x64xf32, #tpu.memory_space<hbm>> -> memref<128x64xf32, #tpu.memory_space<hbm>>
    tpu.wait_dma2 semaphore(%arg26 : memref<!tpu.dma_semaphore, #tpu.memory_space<semaphore_mem>>) src(%arg10 : memref<128x64xf32, #tpu.memory_space<vmem>>) dst(%dma_wait3A_144 : memref<128x64xf32, #tpu.memory_space<hbm>>)
    %dma_start3A_145 = arith.constant 1280 : i32
    %dma_start3A_146 = tpu.memref_slice %arg6[%dma_start3A_145] : memref<2048xi32, #tpu.memory_space<vmem>> -> memref<128xi32, #tpu.memory_space<vmem>>
    %dma_start3A_147 = arith.constant 0 : i32
    %dma_start3A_148 = arith.constant 0 : i32
    %dma_start3A_149 = tpu.memref_slice %arg7[%dma_start3A_147, %dma_start3A_148] : memref<2000x64xf32, #tpu.memory_space<vmem_shared>> -> memref<2000x64xf32, #tpu.memory_space<vmem_shared>>
    tpu.enqueue_indirect_dma source(%dma_start3A_149 : memref<2000x64xf32, #tpu.memory_space<vmem_shared>>) target(%arg10 : memref<128x64xf32, #tpu.memory_space<vmem>>) offsets(%dma_start3A_146 : memref<128xi32, #tpu.memory_space<vmem>>) semaphore(%arg18 : memref<!tpu.dma_semaphore, #tpu.memory_space<semaphore_mem>>)
    %dma_wait3A_150 = arith.constant 768 : i32
    %dma_wait3A_151 = tpu.memref_slice %arg6[%dma_wait3A_150] : memref<2048xi32, #tpu.memory_space<vmem>> -> memref<128xi32, #tpu.memory_space<vmem>>
    %dma_wait3A_152 = arith.constant 0 : i32
    %dma_wait3A_153 = arith.constant 0 : i32
    %dma_wait3A_154 = tpu.memref_slice %arg7[%dma_wait3A_152, %dma_wait3A_153] : memref<2000x64xf32, #tpu.memory_space<vmem_shared>> -> memref<2000x64xf32, #tpu.memory_space<vmem_shared>>
    tpu.wait_indirect_dma semaphore(%arg22 : memref<!tpu.dma_semaphore, #tpu.memory_space<semaphore_mem>>) src(%dma_wait3A_154 : memref<2000x64xf32, #tpu.memory_space<vmem_shared>>) dst(%arg14 : memref<128x64xf32, #tpu.memory_space<vmem>>)
    %add3A_155 = arith.constant 768 : i32
    %add3A_156 = arith.addi %mul3A_4, %add3A_155 : i32
    %dma_start3A_157 = arith.constant 0 : i32
    %dma_start3A_158 = tpu.memref_slice %arg4[%add3A_156, %dma_start3A_157] : memref<65536x64xf32, #tpu.memory_space<hbm>> -> memref<128x64xf32, #tpu.memory_space<hbm>>
    %dma_start3A_159 = arith.constant 0 : i32
    %dma_start3A_160 = tpu.memref_slice %arg4[%add3A_156, %dma_start3A_159] : memref<65536x64xf32, #tpu.memory_space<hbm>> -> memref<128x64xf32, #tpu.memory_space<hbm>>
    tpu.enqueue_dma source(%arg14 : memref<128x64xf32, #tpu.memory_space<vmem>>) target(%dma_start3A_160 : memref<128x64xf32, #tpu.memory_space<hbm>>) target_semaphore(%arg30 : memref<!tpu.dma_semaphore, #tpu.memory_space<semaphore_mem>>)
    %dma_wait3A_161 = arith.constant 0 : i32
    %dma_wait3A_162 = tpu.memref_slice %arg4[%add3A_96, %dma_wait3A_161] : memref<65536x64xf32, #tpu.memory_space<hbm>> -> memref<128x64xf32, #tpu.memory_space<hbm>>
    %dma_wait3A_163 = arith.constant 0 : i32
    %dma_wait3A_164 = tpu.memref_slice %arg4[%add3A_96, %dma_wait3A_163] : memref<65536x64xf32, #tpu.memory_space<hbm>> -> memref<128x64xf32, #tpu.memory_space<hbm>>
    tpu.wait_dma2 semaphore(%arg27 : memref<!tpu.dma_semaphore, #tpu.memory_space<semaphore_mem>>) src(%arg11 : memref<128x64xf32, #tpu.memory_space<vmem>>) dst(%dma_wait3A_164 : memref<128x64xf32, #tpu.memory_space<hbm>>)
    %dma_start3A_165 = arith.constant 1408 : i32
    %dma_start3A_166 = tpu.memref_slice %arg6[%dma_start3A_165] : memref<2048xi32, #tpu.memory_space<vmem>> -> memref<128xi32, #tpu.memory_space<vmem>>
    %dma_start3A_167 = arith.constant 0 : i32
    %dma_start3A_168 = arith.constant 0 : i32
    %dma_start3A_169 = tpu.memref_slice %arg7[%dma_start3A_167, %dma_start3A_168] : memref<2000x64xf32, #tpu.memory_space<vmem_shared>> -> memref<2000x64xf32, #tpu.memory_space<vmem_shared>>
    tpu.enqueue_indirect_dma source(%dma_start3A_169 : memref<2000x64xf32, #tpu.memory_space<vmem_shared>>) target(%arg11 : memref<128x64xf32, #tpu.memory_space<vmem>>) offsets(%dma_start3A_166 : memref<128xi32, #tpu.memory_space<vmem>>) semaphore(%arg19 : memref<!tpu.dma_semaphore, #tpu.memory_space<semaphore_mem>>)
    %dma_wait3A_170 = arith.constant 896 : i32
    %dma_wait3A_171 = tpu.memref_slice %arg6[%dma_wait3A_170] : memref<2048xi32, #tpu.memory_space<vmem>> -> memref<128xi32, #tpu.memory_space<vmem>>
    %dma_wait3A_172 = arith.constant 0 : i32
    %dma_wait3A_173 = arith.constant 0 : i32
    %dma_wait3A_174 = tpu.memref_slice %arg7[%dma_wait3A_172, %dma_wait3A_173] : memref<2000x64xf32, #tpu.memory_space<vmem_shared>> -> memref<2000x64xf32, #tpu.memory_space<vmem_shared>>
    tpu.wait_indirect_dma semaphore(%arg23 : memref<!tpu.dma_semaphore, #tpu.memory_space<semaphore_mem>>) src(%dma_wait3A_174 : memref<2000x64xf32, #tpu.memory_space<vmem_shared>>) dst(%arg15 : memref<128x64xf32, #tpu.memory_space<vmem>>)
    %add3A_175 = arith.constant 896 : i32
    %add3A_176 = arith.addi %mul3A_4, %add3A_175 : i32
    %dma_start3A_177 = arith.constant 0 : i32
    %dma_start3A_178 = tpu.memref_slice %arg4[%add3A_176, %dma_start3A_177] : memref<65536x64xf32, #tpu.memory_space<hbm>> -> memref<128x64xf32, #tpu.memory_space<hbm>>
    %dma_start3A_179 = arith.constant 0 : i32
    %dma_start3A_180 = tpu.memref_slice %arg4[%add3A_176, %dma_start3A_179] : memref<65536x64xf32, #tpu.memory_space<hbm>> -> memref<128x64xf32, #tpu.memory_space<hbm>>
    tpu.enqueue_dma source(%arg15 : memref<128x64xf32, #tpu.memory_space<vmem>>) target(%dma_start3A_180 : memref<128x64xf32, #tpu.memory_space<hbm>>) target_semaphore(%arg31 : memref<!tpu.dma_semaphore, #tpu.memory_space<semaphore_mem>>)
    %dma_wait3A_181 = arith.constant 0 : i32
    %dma_wait3A_182 = tpu.memref_slice %arg4[%add3A_116, %dma_wait3A_181] : memref<65536x64xf32, #tpu.memory_space<hbm>> -> memref<128x64xf32, #tpu.memory_space<hbm>>
    %dma_wait3A_183 = arith.constant 0 : i32
    %dma_wait3A_184 = tpu.memref_slice %arg4[%add3A_116, %dma_wait3A_183] : memref<65536x64xf32, #tpu.memory_space<hbm>> -> memref<128x64xf32, #tpu.memory_space<hbm>>
    tpu.wait_dma2 semaphore(%arg28 : memref<!tpu.dma_semaphore, #tpu.memory_space<semaphore_mem>>) src(%arg12 : memref<128x64xf32, #tpu.memory_space<vmem>>) dst(%dma_wait3A_184 : memref<128x64xf32, #tpu.memory_space<hbm>>)
    %dma_start3A_185 = arith.constant 1536 : i32
    %dma_start3A_186 = tpu.memref_slice %arg6[%dma_start3A_185] : memref<2048xi32, #tpu.memory_space<vmem>> -> memref<128xi32, #tpu.memory_space<vmem>>
    %dma_start3A_187 = arith.constant 0 : i32
    %dma_start3A_188 = arith.constant 0 : i32
    %dma_start3A_189 = tpu.memref_slice %arg7[%dma_start3A_187, %dma_start3A_188] : memref<2000x64xf32, #tpu.memory_space<vmem_shared>> -> memref<2000x64xf32, #tpu.memory_space<vmem_shared>>
    tpu.enqueue_indirect_dma source(%dma_start3A_189 : memref<2000x64xf32, #tpu.memory_space<vmem_shared>>) target(%arg12 : memref<128x64xf32, #tpu.memory_space<vmem>>) offsets(%dma_start3A_186 : memref<128xi32, #tpu.memory_space<vmem>>) semaphore(%arg20 : memref<!tpu.dma_semaphore, #tpu.memory_space<semaphore_mem>>)
    %dma_wait3A_190 = arith.constant 1024 : i32
    %dma_wait3A_191 = tpu.memref_slice %arg6[%dma_wait3A_190] : memref<2048xi32, #tpu.memory_space<vmem>> -> memref<128xi32, #tpu.memory_space<vmem>>
    %dma_wait3A_192 = arith.constant 0 : i32
    %dma_wait3A_193 = arith.constant 0 : i32
    %dma_wait3A_194 = tpu.memref_slice %arg7[%dma_wait3A_192, %dma_wait3A_193] : memref<2000x64xf32, #tpu.memory_space<vmem_shared>> -> memref<2000x64xf32, #tpu.memory_space<vmem_shared>>
    tpu.wait_indirect_dma semaphore(%arg16 : memref<!tpu.dma_semaphore, #tpu.memory_space<semaphore_mem>>) src(%dma_wait3A_194 : memref<2000x64xf32, #tpu.memory_space<vmem_shared>>) dst(%arg8 : memref<128x64xf32, #tpu.memory_space<vmem>>)
    %add3A_195 = arith.constant 1024 : i32
    %add3A_196 = arith.addi %mul3A_4, %add3A_195 : i32
    %dma_start3A_197 = arith.constant 0 : i32
    %dma_start3A_198 = tpu.memref_slice %arg4[%add3A_196, %dma_start3A_197] : memref<65536x64xf32, #tpu.memory_space<hbm>> -> memref<128x64xf32, #tpu.memory_space<hbm>>
    %dma_start3A_199 = arith.constant 0 : i32
    %dma_start3A_200 = tpu.memref_slice %arg4[%add3A_196, %dma_start3A_199] : memref<65536x64xf32, #tpu.memory_space<hbm>> -> memref<128x64xf32, #tpu.memory_space<hbm>>
    tpu.enqueue_dma source(%arg8 : memref<128x64xf32, #tpu.memory_space<vmem>>) target(%dma_start3A_200 : memref<128x64xf32, #tpu.memory_space<hbm>>) target_semaphore(%arg24 : memref<!tpu.dma_semaphore, #tpu.memory_space<semaphore_mem>>)
    %dma_wait3A_201 = arith.constant 0 : i32
    %dma_wait3A_202 = tpu.memref_slice %arg4[%add3A_136, %dma_wait3A_201] : memref<65536x64xf32, #tpu.memory_space<hbm>> -> memref<128x64xf32, #tpu.memory_space<hbm>>
    %dma_wait3A_203 = arith.constant 0 : i32
    %dma_wait3A_204 = tpu.memref_slice %arg4[%add3A_136, %dma_wait3A_203] : memref<65536x64xf32, #tpu.memory_space<hbm>> -> memref<128x64xf32, #tpu.memory_space<hbm>>
    tpu.wait_dma2 semaphore(%arg29 : memref<!tpu.dma_semaphore, #tpu.memory_space<semaphore_mem>>) src(%arg13 : memref<128x64xf32, #tpu.memory_space<vmem>>) dst(%dma_wait3A_204 : memref<128x64xf32, #tpu.memory_space<hbm>>)
    %dma_start3A_205 = arith.constant 1664 : i32
    %dma_start3A_206 = tpu.memref_slice %arg6[%dma_start3A_205] : memref<2048xi32, #tpu.memory_space<vmem>> -> memref<128xi32, #tpu.memory_space<vmem>>
    %dma_start3A_207 = arith.constant 0 : i32
    %dma_start3A_208 = arith.constant 0 : i32
    %dma_start3A_209 = tpu.memref_slice %arg7[%dma_start3A_207, %dma_start3A_208] : memref<2000x64xf32, #tpu.memory_space<vmem_shared>> -> memref<2000x64xf32, #tpu.memory_space<vmem_shared>>
    tpu.enqueue_indirect_dma source(%dma_start3A_209 : memref<2000x64xf32, #tpu.memory_space<vmem_shared>>) target(%arg13 : memref<128x64xf32, #tpu.memory_space<vmem>>) offsets(%dma_start3A_206 : memref<128xi32, #tpu.memory_space<vmem>>) semaphore(%arg21 : memref<!tpu.dma_semaphore, #tpu.memory_space<semaphore_mem>>)
    %dma_wait3A_210 = arith.constant 1152 : i32
    %dma_wait3A_211 = tpu.memref_slice %arg6[%dma_wait3A_210] : memref<2048xi32, #tpu.memory_space<vmem>> -> memref<128xi32, #tpu.memory_space<vmem>>
    %dma_wait3A_212 = arith.constant 0 : i32
    %dma_wait3A_213 = arith.constant 0 : i32
    %dma_wait3A_214 = tpu.memref_slice %arg7[%dma_wait3A_212, %dma_wait3A_213] : memref<2000x64xf32, #tpu.memory_space<vmem_shared>> -> memref<2000x64xf32, #tpu.memory_space<vmem_shared>>
    tpu.wait_indirect_dma semaphore(%arg17 : memref<!tpu.dma_semaphore, #tpu.memory_space<semaphore_mem>>) src(%dma_wait3A_214 : memref<2000x64xf32, #tpu.memory_space<vmem_shared>>) dst(%arg9 : memref<128x64xf32, #tpu.memory_space<vmem>>)
    %add3A_215 = arith.constant 1152 : i32
    %add3A_216 = arith.addi %mul3A_4, %add3A_215 : i32
    %dma_start3A_217 = arith.constant 0 : i32
    %dma_start3A_218 = tpu.memref_slice %arg4[%add3A_216, %dma_start3A_217] : memref<65536x64xf32, #tpu.memory_space<hbm>> -> memref<128x64xf32, #tpu.memory_space<hbm>>
    %dma_start3A_219 = arith.constant 0 : i32
    %dma_start3A_220 = tpu.memref_slice %arg4[%add3A_216, %dma_start3A_219] : memref<65536x64xf32, #tpu.memory_space<hbm>> -> memref<128x64xf32, #tpu.memory_space<hbm>>
    tpu.enqueue_dma source(%arg9 : memref<128x64xf32, #tpu.memory_space<vmem>>) target(%dma_start3A_220 : memref<128x64xf32, #tpu.memory_space<hbm>>) target_semaphore(%arg25 : memref<!tpu.dma_semaphore, #tpu.memory_space<semaphore_mem>>)
    %dma_wait3A_221 = arith.constant 0 : i32
    %dma_wait3A_222 = tpu.memref_slice %arg4[%add3A_156, %dma_wait3A_221] : memref<65536x64xf32, #tpu.memory_space<hbm>> -> memref<128x64xf32, #tpu.memory_space<hbm>>
    %dma_wait3A_223 = arith.constant 0 : i32
    %dma_wait3A_224 = tpu.memref_slice %arg4[%add3A_156, %dma_wait3A_223] : memref<65536x64xf32, #tpu.memory_space<hbm>> -> memref<128x64xf32, #tpu.memory_space<hbm>>
    tpu.wait_dma2 semaphore(%arg30 : memref<!tpu.dma_semaphore, #tpu.memory_space<semaphore_mem>>) src(%arg14 : memref<128x64xf32, #tpu.memory_space<vmem>>) dst(%dma_wait3A_224 : memref<128x64xf32, #tpu.memory_space<hbm>>)
    %dma_start3A_225 = arith.constant 1792 : i32
    %dma_start3A_226 = tpu.memref_slice %arg6[%dma_start3A_225] : memref<2048xi32, #tpu.memory_space<vmem>> -> memref<128xi32, #tpu.memory_space<vmem>>
    %dma_start3A_227 = arith.constant 0 : i32
    %dma_start3A_228 = arith.constant 0 : i32
    %dma_start3A_229 = tpu.memref_slice %arg7[%dma_start3A_227, %dma_start3A_228] : memref<2000x64xf32, #tpu.memory_space<vmem_shared>> -> memref<2000x64xf32, #tpu.memory_space<vmem_shared>>
    tpu.enqueue_indirect_dma source(%dma_start3A_229 : memref<2000x64xf32, #tpu.memory_space<vmem_shared>>) target(%arg14 : memref<128x64xf32, #tpu.memory_space<vmem>>) offsets(%dma_start3A_226 : memref<128xi32, #tpu.memory_space<vmem>>) semaphore(%arg22 : memref<!tpu.dma_semaphore, #tpu.memory_space<semaphore_mem>>)
    %dma_wait3A_230 = arith.constant 1280 : i32
    %dma_wait3A_231 = tpu.memref_slice %arg6[%dma_wait3A_230] : memref<2048xi32, #tpu.memory_space<vmem>> -> memref<128xi32, #tpu.memory_space<vmem>>
    %dma_wait3A_232 = arith.constant 0 : i32
    %dma_wait3A_233 = arith.constant 0 : i32
    %dma_wait3A_234 = tpu.memref_slice %arg7[%dma_wait3A_232, %dma_wait3A_233] : memref<2000x64xf32, #tpu.memory_space<vmem_shared>> -> memref<2000x64xf32, #tpu.memory_space<vmem_shared>>
    tpu.wait_indirect_dma semaphore(%arg18 : memref<!tpu.dma_semaphore, #tpu.memory_space<semaphore_mem>>) src(%dma_wait3A_234 : memref<2000x64xf32, #tpu.memory_space<vmem_shared>>) dst(%arg10 : memref<128x64xf32, #tpu.memory_space<vmem>>)
    %add3A_235 = arith.constant 1280 : i32
    %add3A_236 = arith.addi %mul3A_4, %add3A_235 : i32
    %dma_start3A_237 = arith.constant 0 : i32
    %dma_start3A_238 = tpu.memref_slice %arg4[%add3A_236, %dma_start3A_237] : memref<65536x64xf32, #tpu.memory_space<hbm>> -> memref<128x64xf32, #tpu.memory_space<hbm>>
    %dma_start3A_239 = arith.constant 0 : i32
    %dma_start3A_240 = tpu.memref_slice %arg4[%add3A_236, %dma_start3A_239] : memref<65536x64xf32, #tpu.memory_space<hbm>> -> memref<128x64xf32, #tpu.memory_space<hbm>>
    tpu.enqueue_dma source(%arg10 : memref<128x64xf32, #tpu.memory_space<vmem>>) target(%dma_start3A_240 : memref<128x64xf32, #tpu.memory_space<hbm>>) target_semaphore(%arg26 : memref<!tpu.dma_semaphore, #tpu.memory_space<semaphore_mem>>)
    %dma_wait3A_241 = arith.constant 0 : i32
    %dma_wait3A_242 = tpu.memref_slice %arg4[%add3A_176, %dma_wait3A_241] : memref<65536x64xf32, #tpu.memory_space<hbm>> -> memref<128x64xf32, #tpu.memory_space<hbm>>
    %dma_wait3A_243 = arith.constant 0 : i32
    %dma_wait3A_244 = tpu.memref_slice %arg4[%add3A_176, %dma_wait3A_243] : memref<65536x64xf32, #tpu.memory_space<hbm>> -> memref<128x64xf32, #tpu.memory_space<hbm>>
    tpu.wait_dma2 semaphore(%arg31 : memref<!tpu.dma_semaphore, #tpu.memory_space<semaphore_mem>>) src(%arg15 : memref<128x64xf32, #tpu.memory_space<vmem>>) dst(%dma_wait3A_244 : memref<128x64xf32, #tpu.memory_space<hbm>>)
    %dma_start3A_245 = arith.constant 1920 : i32
    %dma_start3A_246 = tpu.memref_slice %arg6[%dma_start3A_245] : memref<2048xi32, #tpu.memory_space<vmem>> -> memref<128xi32, #tpu.memory_space<vmem>>
    %dma_start3A_247 = arith.constant 0 : i32
    %dma_start3A_248 = arith.constant 0 : i32
    %dma_start3A_249 = tpu.memref_slice %arg7[%dma_start3A_247, %dma_start3A_248] : memref<2000x64xf32, #tpu.memory_space<vmem_shared>> -> memref<2000x64xf32, #tpu.memory_space<vmem_shared>>
    tpu.enqueue_indirect_dma source(%dma_start3A_249 : memref<2000x64xf32, #tpu.memory_space<vmem_shared>>) target(%arg15 : memref<128x64xf32, #tpu.memory_space<vmem>>) offsets(%dma_start3A_246 : memref<128xi32, #tpu.memory_space<vmem>>) semaphore(%arg23 : memref<!tpu.dma_semaphore, #tpu.memory_space<semaphore_mem>>)
    %dma_wait3A_250 = arith.constant 1408 : i32
    %dma_wait3A_251 = tpu.memref_slice %arg6[%dma_wait3A_250] : memref<2048xi32, #tpu.memory_space<vmem>> -> memref<128xi32, #tpu.memory_space<vmem>>
    %dma_wait3A_252 = arith.constant 0 : i32
    %dma_wait3A_253 = arith.constant 0 : i32
    %dma_wait3A_254 = tpu.memref_slice %arg7[%dma_wait3A_252, %dma_wait3A_253] : memref<2000x64xf32, #tpu.memory_space<vmem_shared>> -> memref<2000x64xf32, #tpu.memory_space<vmem_shared>>
    tpu.wait_indirect_dma semaphore(%arg19 : memref<!tpu.dma_semaphore, #tpu.memory_space<semaphore_mem>>) src(%dma_wait3A_254 : memref<2000x64xf32, #tpu.memory_space<vmem_shared>>) dst(%arg11 : memref<128x64xf32, #tpu.memory_space<vmem>>)
    %add3A_255 = arith.constant 1408 : i32
    %add3A_256 = arith.addi %mul3A_4, %add3A_255 : i32
    %dma_start3A_257 = arith.constant 0 : i32
    %dma_start3A_258 = tpu.memref_slice %arg4[%add3A_256, %dma_start3A_257] : memref<65536x64xf32, #tpu.memory_space<hbm>> -> memref<128x64xf32, #tpu.memory_space<hbm>>
    %dma_start3A_259 = arith.constant 0 : i32
    %dma_start3A_260 = tpu.memref_slice %arg4[%add3A_256, %dma_start3A_259] : memref<65536x64xf32, #tpu.memory_space<hbm>> -> memref<128x64xf32, #tpu.memory_space<hbm>>
    tpu.enqueue_dma source(%arg11 : memref<128x64xf32, #tpu.memory_space<vmem>>) target(%dma_start3A_260 : memref<128x64xf32, #tpu.memory_space<hbm>>) target_semaphore(%arg27 : memref<!tpu.dma_semaphore, #tpu.memory_space<semaphore_mem>>)
    %dma_wait3A_261 = arith.constant 1536 : i32
    %dma_wait3A_262 = tpu.memref_slice %arg6[%dma_wait3A_261] : memref<2048xi32, #tpu.memory_space<vmem>> -> memref<128xi32, #tpu.memory_space<vmem>>
    %dma_wait3A_263 = arith.constant 0 : i32
    %dma_wait3A_264 = arith.constant 0 : i32
    %dma_wait3A_265 = tpu.memref_slice %arg7[%dma_wait3A_263, %dma_wait3A_264] : memref<2000x64xf32, #tpu.memory_space<vmem_shared>> -> memref<2000x64xf32, #tpu.memory_space<vmem_shared>>
    tpu.wait_indirect_dma semaphore(%arg20 : memref<!tpu.dma_semaphore, #tpu.memory_space<semaphore_mem>>) src(%dma_wait3A_265 : memref<2000x64xf32, #tpu.memory_space<vmem_shared>>) dst(%arg12 : memref<128x64xf32, #tpu.memory_space<vmem>>)
    %add3A_266 = arith.constant 1536 : i32
    %add3A_267 = arith.addi %mul3A_4, %add3A_266 : i32
    %dma_start3A_268 = arith.constant 0 : i32
    %dma_start3A_269 = tpu.memref_slice %arg4[%add3A_267, %dma_start3A_268] : memref<65536x64xf32, #tpu.memory_space<hbm>> -> memref<128x64xf32, #tpu.memory_space<hbm>>
    %dma_start3A_270 = arith.constant 0 : i32
    %dma_start3A_271 = tpu.memref_slice %arg4[%add3A_267, %dma_start3A_270] : memref<65536x64xf32, #tpu.memory_space<hbm>> -> memref<128x64xf32, #tpu.memory_space<hbm>>
    tpu.enqueue_dma source(%arg12 : memref<128x64xf32, #tpu.memory_space<vmem>>) target(%dma_start3A_271 : memref<128x64xf32, #tpu.memory_space<hbm>>) target_semaphore(%arg28 : memref<!tpu.dma_semaphore, #tpu.memory_space<semaphore_mem>>)
    %dma_wait3A_272 = arith.constant 1664 : i32
    %dma_wait3A_273 = tpu.memref_slice %arg6[%dma_wait3A_272] : memref<2048xi32, #tpu.memory_space<vmem>> -> memref<128xi32, #tpu.memory_space<vmem>>
    %dma_wait3A_274 = arith.constant 0 : i32
    %dma_wait3A_275 = arith.constant 0 : i32
    %dma_wait3A_276 = tpu.memref_slice %arg7[%dma_wait3A_274, %dma_wait3A_275] : memref<2000x64xf32, #tpu.memory_space<vmem_shared>> -> memref<2000x64xf32, #tpu.memory_space<vmem_shared>>
    tpu.wait_indirect_dma semaphore(%arg21 : memref<!tpu.dma_semaphore, #tpu.memory_space<semaphore_mem>>) src(%dma_wait3A_276 : memref<2000x64xf32, #tpu.memory_space<vmem_shared>>) dst(%arg13 : memref<128x64xf32, #tpu.memory_space<vmem>>)
    %add3A_277 = arith.constant 1664 : i32
    %add3A_278 = arith.addi %mul3A_4, %add3A_277 : i32
    %dma_start3A_279 = arith.constant 0 : i32
    %dma_start3A_280 = tpu.memref_slice %arg4[%add3A_278, %dma_start3A_279] : memref<65536x64xf32, #tpu.memory_space<hbm>> -> memref<128x64xf32, #tpu.memory_space<hbm>>
    %dma_start3A_281 = arith.constant 0 : i32
    %dma_start3A_282 = tpu.memref_slice %arg4[%add3A_278, %dma_start3A_281] : memref<65536x64xf32, #tpu.memory_space<hbm>> -> memref<128x64xf32, #tpu.memory_space<hbm>>
    tpu.enqueue_dma source(%arg13 : memref<128x64xf32, #tpu.memory_space<vmem>>) target(%dma_start3A_282 : memref<128x64xf32, #tpu.memory_space<hbm>>) target_semaphore(%arg29 : memref<!tpu.dma_semaphore, #tpu.memory_space<semaphore_mem>>)
    %dma_wait3A_283 = arith.constant 1792 : i32
    %dma_wait3A_284 = tpu.memref_slice %arg6[%dma_wait3A_283] : memref<2048xi32, #tpu.memory_space<vmem>> -> memref<128xi32, #tpu.memory_space<vmem>>
    %dma_wait3A_285 = arith.constant 0 : i32
    %dma_wait3A_286 = arith.constant 0 : i32
    %dma_wait3A_287 = tpu.memref_slice %arg7[%dma_wait3A_285, %dma_wait3A_286] : memref<2000x64xf32, #tpu.memory_space<vmem_shared>> -> memref<2000x64xf32, #tpu.memory_space<vmem_shared>>
    tpu.wait_indirect_dma semaphore(%arg22 : memref<!tpu.dma_semaphore, #tpu.memory_space<semaphore_mem>>) src(%dma_wait3A_287 : memref<2000x64xf32, #tpu.memory_space<vmem_shared>>) dst(%arg14 : memref<128x64xf32, #tpu.memory_space<vmem>>)
    %add3A_288 = arith.constant 1792 : i32
    %add3A_289 = arith.addi %mul3A_4, %add3A_288 : i32
    %dma_start3A_290 = arith.constant 0 : i32
    %dma_start3A_291 = tpu.memref_slice %arg4[%add3A_289, %dma_start3A_290] : memref<65536x64xf32, #tpu.memory_space<hbm>> -> memref<128x64xf32, #tpu.memory_space<hbm>>
    %dma_start3A_292 = arith.constant 0 : i32
    %dma_start3A_293 = tpu.memref_slice %arg4[%add3A_289, %dma_start3A_292] : memref<65536x64xf32, #tpu.memory_space<hbm>> -> memref<128x64xf32, #tpu.memory_space<hbm>>
    tpu.enqueue_dma source(%arg14 : memref<128x64xf32, #tpu.memory_space<vmem>>) target(%dma_start3A_293 : memref<128x64xf32, #tpu.memory_space<hbm>>) target_semaphore(%arg30 : memref<!tpu.dma_semaphore, #tpu.memory_space<semaphore_mem>>)
    %dma_wait3A_294 = arith.constant 1920 : i32
    %dma_wait3A_295 = tpu.memref_slice %arg6[%dma_wait3A_294] : memref<2048xi32, #tpu.memory_space<vmem>> -> memref<128xi32, #tpu.memory_space<vmem>>
    %dma_wait3A_296 = arith.constant 0 : i32
    %dma_wait3A_297 = arith.constant 0 : i32
    %dma_wait3A_298 = tpu.memref_slice %arg7[%dma_wait3A_296, %dma_wait3A_297] : memref<2000x64xf32, #tpu.memory_space<vmem_shared>> -> memref<2000x64xf32, #tpu.memory_space<vmem_shared>>
    tpu.wait_indirect_dma semaphore(%arg23 : memref<!tpu.dma_semaphore, #tpu.memory_space<semaphore_mem>>) src(%dma_wait3A_298 : memref<2000x64xf32, #tpu.memory_space<vmem_shared>>) dst(%arg15 : memref<128x64xf32, #tpu.memory_space<vmem>>)
    %add3A_299 = arith.constant 1920 : i32
    %add3A_300 = arith.addi %mul3A_4, %add3A_299 : i32
    %dma_start3A_301 = arith.constant 0 : i32
    %dma_start3A_302 = tpu.memref_slice %arg4[%add3A_300, %dma_start3A_301] : memref<65536x64xf32, #tpu.memory_space<hbm>> -> memref<128x64xf32, #tpu.memory_space<hbm>>
    %dma_start3A_303 = arith.constant 0 : i32
    %dma_start3A_304 = tpu.memref_slice %arg4[%add3A_300, %dma_start3A_303] : memref<65536x64xf32, #tpu.memory_space<hbm>> -> memref<128x64xf32, #tpu.memory_space<hbm>>
    tpu.enqueue_dma source(%arg15 : memref<128x64xf32, #tpu.memory_space<vmem>>) target(%dma_start3A_304 : memref<128x64xf32, #tpu.memory_space<hbm>>) target_semaphore(%arg31 : memref<!tpu.dma_semaphore, #tpu.memory_space<semaphore_mem>>)
    %dma_wait3A_305 = arith.constant 0 : i32
    %dma_wait3A_306 = tpu.memref_slice %arg4[%add3A_196, %dma_wait3A_305] : memref<65536x64xf32, #tpu.memory_space<hbm>> -> memref<128x64xf32, #tpu.memory_space<hbm>>
    %dma_wait3A_307 = arith.constant 0 : i32
    %dma_wait3A_308 = tpu.memref_slice %arg4[%add3A_196, %dma_wait3A_307] : memref<65536x64xf32, #tpu.memory_space<hbm>> -> memref<128x64xf32, #tpu.memory_space<hbm>>
    tpu.wait_dma2 semaphore(%arg24 : memref<!tpu.dma_semaphore, #tpu.memory_space<semaphore_mem>>) src(%arg8 : memref<128x64xf32, #tpu.memory_space<vmem>>) dst(%dma_wait3A_308 : memref<128x64xf32, #tpu.memory_space<hbm>>)
    %dma_wait3A_309 = arith.constant 0 : i32
    %dma_wait3A_310 = tpu.memref_slice %arg4[%add3A_216, %dma_wait3A_309] : memref<65536x64xf32, #tpu.memory_space<hbm>> -> memref<128x64xf32, #tpu.memory_space<hbm>>
    %dma_wait3A_311 = arith.constant 0 : i32
    %dma_wait3A_312 = tpu.memref_slice %arg4[%add3A_216, %dma_wait3A_311] : memref<65536x64xf32, #tpu.memory_space<hbm>> -> memref<128x64xf32, #tpu.memory_space<hbm>>
    tpu.wait_dma2 semaphore(%arg25 : memref<!tpu.dma_semaphore, #tpu.memory_space<semaphore_mem>>) src(%arg9 : memref<128x64xf32, #tpu.memory_space<vmem>>) dst(%dma_wait3A_312 : memref<128x64xf32, #tpu.memory_space<hbm>>)
    %dma_wait3A_313 = arith.constant 0 : i32
    %dma_wait3A_314 = tpu.memref_slice %arg4[%add3A_236, %dma_wait3A_313] : memref<65536x64xf32, #tpu.memory_space<hbm>> -> memref<128x64xf32, #tpu.memory_space<hbm>>
    %dma_wait3A_315 = arith.constant 0 : i32
    %dma_wait3A_316 = tpu.memref_slice %arg4[%add3A_236, %dma_wait3A_315] : memref<65536x64xf32, #tpu.memory_space<hbm>> -> memref<128x64xf32, #tpu.memory_space<hbm>>
    tpu.wait_dma2 semaphore(%arg26 : memref<!tpu.dma_semaphore, #tpu.memory_space<semaphore_mem>>) src(%arg10 : memref<128x64xf32, #tpu.memory_space<vmem>>) dst(%dma_wait3A_316 : memref<128x64xf32, #tpu.memory_space<hbm>>)
    %dma_wait3A_317 = arith.constant 0 : i32
    %dma_wait3A_318 = tpu.memref_slice %arg4[%add3A_256, %dma_wait3A_317] : memref<65536x64xf32, #tpu.memory_space<hbm>> -> memref<128x64xf32, #tpu.memory_space<hbm>>
    %dma_wait3A_319 = arith.constant 0 : i32
    %dma_wait3A_320 = tpu.memref_slice %arg4[%add3A_256, %dma_wait3A_319] : memref<65536x64xf32, #tpu.memory_space<hbm>> -> memref<128x64xf32, #tpu.memory_space<hbm>>
    tpu.wait_dma2 semaphore(%arg27 : memref<!tpu.dma_semaphore, #tpu.memory_space<semaphore_mem>>) src(%arg11 : memref<128x64xf32, #tpu.memory_space<vmem>>) dst(%dma_wait3A_320 : memref<128x64xf32, #tpu.memory_space<hbm>>)
    %dma_wait3A_321 = arith.constant 0 : i32
    %dma_wait3A_322 = tpu.memref_slice %arg4[%add3A_267, %dma_wait3A_321] : memref<65536x64xf32, #tpu.memory_space<hbm>> -> memref<128x64xf32, #tpu.memory_space<hbm>>
    %dma_wait3A_323 = arith.constant 0 : i32
    %dma_wait3A_324 = tpu.memref_slice %arg4[%add3A_267, %dma_wait3A_323] : memref<65536x64xf32, #tpu.memory_space<hbm>> -> memref<128x64xf32, #tpu.memory_space<hbm>>
    tpu.wait_dma2 semaphore(%arg28 : memref<!tpu.dma_semaphore, #tpu.memory_space<semaphore_mem>>) src(%arg12 : memref<128x64xf32, #tpu.memory_space<vmem>>) dst(%dma_wait3A_324 : memref<128x64xf32, #tpu.memory_space<hbm>>)
    %dma_wait3A_325 = arith.constant 0 : i32
    %dma_wait3A_326 = tpu.memref_slice %arg4[%add3A_278, %dma_wait3A_325] : memref<65536x64xf32, #tpu.memory_space<hbm>> -> memref<128x64xf32, #tpu.memory_space<hbm>>
    %dma_wait3A_327 = arith.constant 0 : i32
    %dma_wait3A_328 = tpu.memref_slice %arg4[%add3A_278, %dma_wait3A_327] : memref<65536x64xf32, #tpu.memory_space<hbm>> -> memref<128x64xf32, #tpu.memory_space<hbm>>
    tpu.wait_dma2 semaphore(%arg29 : memref<!tpu.dma_semaphore, #tpu.memory_space<semaphore_mem>>) src(%arg13 : memref<128x64xf32, #tpu.memory_space<vmem>>) dst(%dma_wait3A_328 : memref<128x64xf32, #tpu.memory_space<hbm>>)
    %dma_wait3A_329 = arith.constant 0 : i32
    %dma_wait3A_330 = tpu.memref_slice %arg4[%add3A_289, %dma_wait3A_329] : memref<65536x64xf32, #tpu.memory_space<hbm>> -> memref<128x64xf32, #tpu.memory_space<hbm>>
    %dma_wait3A_331 = arith.constant 0 : i32
    %dma_wait3A_332 = tpu.memref_slice %arg4[%add3A_289, %dma_wait3A_331] : memref<65536x64xf32, #tpu.memory_space<hbm>> -> memref<128x64xf32, #tpu.memory_space<hbm>>
    tpu.wait_dma2 semaphore(%arg30 : memref<!tpu.dma_semaphore, #tpu.memory_space<semaphore_mem>>) src(%arg14 : memref<128x64xf32, #tpu.memory_space<vmem>>) dst(%dma_wait3A_332 : memref<128x64xf32, #tpu.memory_space<hbm>>)
    %dma_wait3A_333 = arith.constant 0 : i32
    %dma_wait3A_334 = tpu.memref_slice %arg4[%add3A_300, %dma_wait3A_333] : memref<65536x64xf32, #tpu.memory_space<hbm>> -> memref<128x64xf32, #tpu.memory_space<hbm>>
    %dma_wait3A_335 = arith.constant 0 : i32
    %dma_wait3A_336 = tpu.memref_slice %arg4[%add3A_300, %dma_wait3A_335] : memref<65536x64xf32, #tpu.memory_space<hbm>> -> memref<128x64xf32, #tpu.memory_space<hbm>>
    tpu.wait_dma2 semaphore(%arg31 : memref<!tpu.dma_semaphore, #tpu.memory_space<semaphore_mem>>) src(%arg15 : memref<128x64xf32, #tpu.memory_space<vmem>>) dst(%dma_wait3A_336 : memref<128x64xf32, #tpu.memory_space<hbm>>)
    return
  }
}

</mosaic_0001>

<sc_bundles>
// kernel: kernel.3.cloned.1.call-start
scs
__scs_entry_jumppad:
0x0: {  	(pc) =	sbr.rel $0x88, $3  }
0x1: {  	(tag) =	ssettag $0x0;
	lr =	simm.s32 $0x1  }
0x2: {  	[smem:$0x3F9F] =	sst lr;
	_ =	strace $0xD0000000  }
0x3: {  	_ = 	snop  }
0x4: {  	_ = 	snop  }
0x5: {  	_ = 	snop  }
0x6: {  	_ = 	snop  }
0x7: {  	_ = 	snop  }
__scs_overlays_trampoline_lowered:
0x8: {  	[smem:$0x3FAE] =	sst s0  }
0x9: {  	[smem:$0x3FAF] =	sst s1  }
0xa: {  	[smem:$0x3FB0] =	sst s2  }
0xb: {  	[smem:$0x3FB1] =	sst s3  }
0xc: {  	[smem:$0x3FB2] =	sst s4  }
0xd: {  	[smem:$0x3FB3] =	sst s5  }
0xe: {  	[smem:$0x3FB4] =	sst s6  }
0xf: {  	[smem:$0x3FB5] =	sst s7  }
0x10: {  	[smem:$0x3FB6] =	sst s8  }
0x11: {  	[smem:$0x3FB7] =	sst s9;
	s0 =	simm.s32 @!p0 $0x0  }
0x12: {  	s1 =	sld [smem:$0x3F9D];
	s0 =	simm.s32 @p0 $0x1  }
0x13: {  	[smem:$0x3FB8] =	sst s0;
	s0 =	simm.s32 @!p1 $0x0  }
0x14: {  	s2 =	sld [smem:$0x3F9C];
	s0 =	simm.s32 @p1 $0x1  }
0x15: {  	[smem:$0x3FB9] =	sst s0;
	s0 =	simm.s32 @!p2 $0x0  }
0x16: {  	s3 =	sld [smem:$0x3FDB];
	s0 =	simm.s32 @p2 $0x1  }
0x17: {  	s4 =	simm.s32 $0x1BF5;
	[smem:$0x3FBB] =	sst s0  }
0x18: {  	s0 =	sld [smem:$0x3F9E];
	_ =	swait.ge [sflag:s4], $0x0  }
0x19: {  	s7 =	sld [smem:$0x3F9F]  }
0x1a: {  	s8 =	sadd.s32 $0xFFFFE003, lr  }
0x1b: {  	s9 =	sadd.s32 $0xFFFFFEF7, lr;
	s5 =	simm.s32 $0xFFFFFFFF;
	p2 =	slt.u32 s8, $0xFFFFF086  }
0x1c: {  	p1 =	slt.u32 s9, $0xF7A;
	s5 =	simm.s32 @!p2 $0x0  }
0x1d: {  	s5 =	simm.s32 @p1 $0x1;
	p0 =	seq.s32 s7, s2  }
0x1e: {  	s7 =	smul.u32 @!p0 $0xF7A, s2;
	p2 =	seq.s32 @!p0 s5, $0x0  }
0x1f: {  	s9 =	smul.u32 $0xF7A, s1;
	s8 =	simm.s32 @!p0 $0x1BF5;
	p2 =	por !p2, p0  }
0x20: {  	[sflag:s8] =	ssyncset.s32 @!p0 $0xFFFFF086;
	s6 =	sadd.s32 @!p0 s3, s7;
	s7 =	simm.s32 @!p0 $0x108  }
0x21: {  	s3 =	sadd.s32 s3, s9;
	s6 =	sadd.s32 @!p0 $0x88, s6;
	s7 =	simm.s32 @p2 $0x1082  }
0x22: {  	[simem:s7], [sflag:s8] =	dma.local @!p0 [hbm:s6], $0xF7A  }
0x23: {  	s9 =	sor.u32 $0xD0000000, s2;
	s6 =	simm.s32 $0x108;
	_ =	swait.ge @!p0 [sflag:s8], $0x0  }
0x24: {  	s3 =	sadd.s32 $0x88, s3;
	s6 =	simm.s32 @!p1 $0x1082;
	[sflag:s4] =	ssyncset.s32 $0xFFFFF086  }
0x25: {  	[simem:s6], [sflag:s4] =	dma.local [hbm:s3], $0xF7A  }
0x26: {  	[smem:$0x3F9F] =	sst s1;
	(tag) =	ssettag s2;
	_ =	strace s9  }
0x27: {  	s1 =	sld [smem:$0x3FAF]  }
0x28: {  	s2 =	sld [smem:$0x3FB0]  }
0x29: {  	s4 =	sld [smem:$0x3FB2]  }
0x2a: {  	p0 =	seq.s32 s5, $0x0;
	s5 =	sld [smem:$0x3FB3]  }
0x2b: {  	s6 =	sld [smem:$0x3FB4]  }
0x2c: {  	s7 =	sld [smem:$0x3FB5]  }
0x2d: {  	s3 =	simm.s32 $0x108;
	s8 =	sld [smem:$0x3FB6]  }
0x2e: {  	s3 =	simm.s32 @!p0 $0x1082;
	s9 =	sld [smem:$0x3FB7]  }
0x2f: {  	lr =	sadd.s32 s0, s3;
	s0 =	sld [smem:$0x3FAE]  }
0x30: {  	s3 =	sld [smem:$0x3FB1]  }
0x31: {  	[smem:$0x3FBA] =	sst s10  }
0x32: {  	s10 =	sld [smem:$0x3FB8];
	_ =	sdelay $0x3  }
0x33: {  	p0 =	seq.s32 s10, $0x1;
	s10 =	sld [smem:$0x3FBA];
	_ =	sdelay $0x3  }
0x34: {  	[smem:$0x3FBA] =	sst s10  }
0x35: {  	s10 =	sld [smem:$0x3FB9];
	_ =	sdelay $0x3  }
0x36: {  	p1 =	seq.s32 s10, $0x1;
	s10 =	sld [smem:$0x3FBA];
	_ =	sdelay $0x3  }
0x37: {  	[smem:$0x3FBA] =	sst s10  }
0x38: {  	s10 =	sld [smem:$0x3FBB]  }
0x39: {  	_ = 	snop;
	(pc) =	sbr.ind lr, $3  }
0x3a: {  	_ = 	snop  }
0x3b: {  	_ = 	snop  }
0x3c: {  	p2 =	seq.s32 s10, $0x1;
	s10 =	sld [smem:$0x3FBA]  }
0x3d: {  	_ =	shalt  }
0x3e: {  	_ =	shalt  }
0x3f: {  	_ =	shalt  }
0x40: {  	_ =	shalt  }
0x41: {  	_ =	shalt  }
0x42: {  	_ =	shalt  }
0x43: {  	_ =	shalt  }
0x44: {  	_ =	shalt  }
0x45: {  	_ =	shalt  }
0x46: {  	_ =	shalt  }
0x47: {  	_ =	shalt  }
0x48: {  	_ =	shalt  }
0x49: {  	_ =	shalt  }
0x4a: {  	_ =	shalt  }
0x4b: {  	_ =	shalt  }
0x4c: {  	_ =	shalt  }
0x4d: {  	_ =	shalt  }
0x4e: {  	_ =	shalt  }
0x4f: {  	_ =	shalt  }
0x50: {  	_ =	shalt  }
0x51: {  	_ =	shalt  }
0x52: {  	_ =	shalt  }
0x53: {  	_ =	shalt  }
0x54: {  	_ =	shalt  }
0x55: {  	_ =	shalt  }
0x56: {  	_ =	shalt  }
0x57: {  	_ =	shalt  }
0x58: {  	_ =	shalt  }
0x59: {  	_ =	shalt  }
0x5a: {  	_ =	shalt  }
0x5b: {  	_ =	shalt  }
0x5c: {  	_ =	shalt  }
0x5d: {  	_ =	shalt  }
0x5e: {  	_ =	shalt  }
0x5f: {  	_ =	shalt  }
0x60: {  	_ =	shalt  }
0x61: {  	_ =	shalt  }
0x62: {  	_ =	shalt  }
0x63: {  	_ =	shalt  }
0x64: {  	_ =	shalt  }
0x65: {  	_ =	shalt  }
0x66: {  	_ =	shalt  }
0x67: {  	_ =	shalt  }
0x68: {  	_ =	shalt  }
0x69: {  	_ =	shalt  }
0x6a: {  	_ =	shalt  }
0x6b: {  	_ =	shalt  }
0x6c: {  	_ =	shalt  }
0x6d: {  	_ =	shalt  }
0x6e: {  	_ =	shalt  }
0x6f: {  	_ =	shalt  }
0x70: {  	_ =	shalt  }
0x71: {  	_ =	shalt  }
0x72: {  	_ =	shalt  }
0x73: {  	_ =	shalt  }
0x74: {  	_ =	shalt  }
0x75: {  	_ =	shalt  }
0x76: {  	_ =	shalt  }
0x77: {  	_ =	shalt  }
0x78: {  	_ =	shalt  }
0x79: {  	_ =	shalt  }
0x7a: {  	_ =	shalt  }
0x7b: {  	_ =	shalt  }
0x7c: {  	_ =	shalt  }
0x7d: {  	_ =	shalt  }
0x7e: {  	_ =	shalt  }
0x7f: {  	_ =	shalt  }
0x80: {  	_ =	shalt  }
0x81: {  	_ =	shalt  }
0x82: {  	_ =	shalt  }
0x83: {  	_ =	shalt  }
0x84: {  	_ =	shalt  }
0x85: {  	_ =	shalt  }
0x86: {  	_ =	shalt  }
0x87: {  	_ =	shalt  }
.Lfunc_end0:
.L_simem_size_0:
called_computation_lowered:
.L_overlay_start_0:
0x88: {  	s2 =	sld [smem:$0x3FD9]  }
0x89: {  	s3 =	sld [smem:$0x3FFE];
	_ =	sdelay $0x1  }
0x8a: {  	s1 =	srdreg.scid  }
0x8b: {  	s0 =	sand.u32 $0x1, s1  }
0x8c: {  	s17 =	sshll.u32 s0, $0xA;
	s2 =	sadd.s32 s3, s2  }
0x8d: {  	s2 =	sadd.s32 s2, s17  }
0x8e: {  	[smem:$0x3FC6] =	sst s2  }
0x8f: {  	_ = 	snop  }
0x90: {  	s2 =	sld [smem:$0x3FC8]  }
0x91: {  	s18 =	sld [smem:$0x3FD0];
	(tm) =	ssettm $0x1  }
0x92: {  	s4 =	sld [smem:$0x3FFB];
	_ =	sdelay $0x3  }
0x93: {  	_ =	strace s4  }
0x94: {  	s4 =	sld [smem:$0x3FFC];
	_ =	sdelay $0x3  }
0x95: {  	_ =	strace s4  }
0x96: {  	s4 =	sld [smem:$0x3FFD];
	_ =	sdelay $0x3  }
0x97: {  	_ =	strace s4  }
0x98: {  	_ =	strace $0x8FFFFFFF  }
0x99: {  	s19 =	sld [smem:$0x3FDB];
	_ =	sdelay $0x1  }
0x9a: {  	s5 =	simm.s32 $_scs_section_size  }
0x9b: {  	s6 =	simm.s32 $_size__tile_overlayer_lowered;
	s7 =	simm.s32 $_tile_overlayer_lowered  }
0x9c: {  	s22 =	simm.s32 $0x1BFF;
	s21 =	sshll.u32 s7, $0x1;
	s4 =	sadd.s32 s5, s19  }
0x9d: {  	s8 =	simm.s32 $0x0;
	s20 =	sshll.u32 s6, $0x1;
	s6 =	sadd.s32 s21, s4  }
0x9e: {  	[timem:s8], [sflag:s22] =	dma.local [hbm:s6], s20  }
0x9f: {  	_ =	swait.ge [sflag:s22], s20  }
0xa0: {  	s5 =	ssub.s32 $0x0, s20;
	[sflag:s22] =	ssyncset.done $0x0  }
0xa1: {  	[sflag:s22] =	ssyncadd.s32 s5;
	_ =	sdelay $0x1  }
0xa2: {  	s23 =	simm.s32 $0x1B8B  }
0xa3: {  	_ =	swait.ge [sflag:s23], $0x1  }
0xa4: {  	[sflag:s23] =	ssyncset.done $0x0  }
0xa5: {  	s25 =	simm.s32 $0x1B8E;
	s24 =	sld [smem:$0x3FFE];
	[sflag:s23] =	ssyncadd.s32 $0xFFFFFFFF  }
0xa6: {  	s26 =	simm.s32 $execute0_lowered;
	[smem:$0x3FD2] =	sst s25  }
0xa7: {  	s6 =	sshll.u32 s26, $0x1;
	_ =	strace $0x80000046;
	[dreg:$0x1] =	wrdreg $0xFFFFFFFF  }
0xa8: {  	s28 =	simm.s32 $_size_execute0_lowered;
	s4 =	sadd.s32 s4, s6;
	[dreg:$0x0] =	wrdreg $0x0  }
0xa9: {  	s6 =	sshll.u32 s28, $0x1;
	[dreg:$0x2] =	wrdreg s4  }
0xaa: {  	[dreg:$0x3] =	wrdreg s6  }
0xab: {  	[dreg:$0x4] =	wrdreg $0xC0  }
0xac: {  	_ =	task [dreg:s8], $0x5FFFF  }
0xad: {  	[dreg:$0x1] =	wrdreg $0xFFFFFFFF  }
0xae: {  	[dreg:$0x0] =	wrdreg $0x60  }
0xaf: {  	[dreg:$0x2] =	wrdreg s24  }
0xb0: {  	[dreg:$0x3] =	wrdreg s2  }
0xb1: {  	[dreg:$0x4] =	wrdreg s18  }
0xb2: {  	[dreg:$0x5] =	wrdreg $0xE000  }
0xb3: {  	[dreg:$0x6] =	wrdreg $0x9  }
0xb4: {  	_ =	task.clear_ibuf [dreg:s8], $0x7FFFF;
	_ =	strace $0x90000046  }
0xb5: {  	s29 =	simm.s32 $0x9;
	_ =	strace $0x80000048  }
0xb6: {  	_ =	swait.ge [sflag:s29], $0x1  }
0xb7: {  	[sflag:s29] =	ssyncadd.s32 $0xFFFFFFFF  }
0xb8: {  	_ =	strace $0x90000048  }
0xb9: {  	_ =	sfence  }
0xba: {  	s30 =	sld [smem:$0x0];
	_ =	sdelay $0x2  }
0xbb: {  	s31 =	sshll.u32 s1, $0xD;
	s1 =	sshrl.u32 s1, $0x2  }
0xbc: {  	s3 =	sand.u32 $0x4000, s31;
	s1 =	sadd.s32 s1, s30  }
0xbd: {  	s0 =	sor.u32 s3, s0;
	s1 =	sshll.u32 s1, $0x11  }
0xbe: {  	s0 =	sor.u32 s1, s0  }
0xbf: {  	s0 =	sadd.s32 $0x8F2B, s0  }
0xc0: {  	[sflag:s0] =	ssyncadd.remote.s32 $0x1  }
0xc1: {  	_ =	sfence.sel $0xFFFF  }
0xc2: {  	[dreg:$0x0] =	wrdreg $0xFFFFFFFF;
	(pc) =	sbr.abs _section_cstart, $3  }
0xc3: {  	[dreg:$0x1] =	wrdreg $0xFFFFFFFF  }
0xc4: {  	_ =	task.clear_ibuf [dreg:s8], $0x2FFFF;
	_ =	strace $0x9FFFFFFF  }
0xc5: {  	(tm) =	ssettm $0x7FFFFFFF  }
tec
execute0_lowered:
.L_overlay_start_1:
0x0: {  	(tag) =	ssettag $0x1  }
0x1: {  	s0 =	rddreg [dreg:$0x0]  }
0x2: {  	s3 =	srdreg.scid;
	s4 =	stileid.u32  }
0x3: {  	s1 =	rddreg [dreg:$0x2];
	s5 =	sand.u32 $0x1, s3;
	s6 =	sshll.u32 s4, $0x1  }
0x4: {  	s2 =	rddreg [dreg:$0x3];
	s6 =	sor.u32 s5, s6  }
0x5: {  	s3 =	simm.s32 $0x0;
	s7 =	smul.u32 $0xC0, s6;
	s6 =	sshll.u32 s6, $0xE  }
0x6: {  	[smem:$0x7FF] =	sst s3;
	s6 =	sadd.s32 s1, s6  }
0x7: {  	_ =	strace $0x80000047;
	s11 =	sadd.s32 $0x400, s6;
	[dreg:$0x5] =	wrdreg s6  }
0x8: {  	s29 =	simm.s32 $0x4D40;
	s12 =	sadd.s32 $0x800, s6;
	[dreg:$0x7] =	wrdreg s11  }
0x9: {  	s31 =	simm.s32 $0x6D40;
	s13 =	sadd.s32 $0xC00, s6;
	[dreg:$0x8] =	wrdreg s12  }
0xa: {  	s30 =	simm.s32 $0xAD40;
	s14 =	sadd.s32 $0x1000, s6;
	[dreg:$0x9] =	wrdreg s13  }
0xb: {  	s28 =	simm.s32 $0xCD40;
	s15 =	sadd.s32 $0x1400, s6;
	[dreg:$0xa] =	wrdreg s14  }
0xc: {  	s8 =	simm.s32 $0x10D40;
	s16 =	sadd.s32 $0x1800, s6;
	[dreg:$0xb] =	wrdreg s15  }
0xd: {  	p0 =	sne.s32 s4, $0x0;
	s17 =	sadd.s32 $0x1C00, s6;
	[dreg:$0xc] =	wrdreg s16  }
0xe: {  	s5 =	ssub.s32 $0x2, s5;
	s18 =	sadd.s32 $0x2000, s6;
	[dreg:$0xd] =	wrdreg s17  }
0xf: {  	s9 =	sshrl.u32 s5, $0x1;
	s19 =	sadd.s32 $0x2400, s6;
	[dreg:$0xe] =	wrdreg s18  }
0x10: {  	s10 =	ssub.s32 s5, s9;
	s20 =	sadd.s32 $0x2800, s6;
	[dreg:$0xf] =	wrdreg s19  }
0x11: {  	s1 =	simm.s32 $0x1;
	s21 =	sadd.s32 $0x2C00, s6;
	[dreg:$0x10] =	wrdreg s20  }
0x12: {  	s5 =	simm.s32 $0x2;
	s22 =	sadd.s32 $0x3000, s6;
	[dreg:$0x11] =	wrdreg s21  }
0x13: {  	s9 =	simm.s32 $0x4;
	s23 =	sadd.s32 $0x3400, s6;
	[dreg:$0x12] =	wrdreg s22  }
0x14: {  	s0 =	sadd.s32 s7, s0;
	s24 =	sadd.s32 $0x3800, s6;
	[dreg:$0x13] =	wrdreg s23  }
0x15: {  	s25 =	sadd.s32 $0x3C00, s6;
	s26 =	smax.u32 s10, $0x1;
	[dreg:$0x14] =	wrdreg s24  }
0x16: {  	s6 =	simm.s32 $0xED40;
	s7 =	simm.s32 $0x3;
	[dreg:$0x15] =	wrdreg s25  }
0x17: {  	s10 =	simm.s32 $0x9;
	s0 =	sadd.s32 $0x400, s0;
	[dreg:$0x16] =	wrdreg s26  }
0x18: {  	s24 =	simm.s32 $0x600;
	s25 =	simm.s32 $0x80;
	s11 =	simm.s32 $0x5  }
0x19: {  	s12 =	simm.s32 $0xA;
	s13 =	simm.s32 $0x6;
	s14 =	simm.s32 $0xB  }
0x1a: {  	s15 =	simm.s32 $0x7;
	s16 =	simm.s32 $0xC;
	s17 =	simm.s32 $0x8  }
0x1b: {  	s18 =	simm.s32 $0xD;
	s19 =	simm.s32 $0xE;
	s20 =	simm.s32 $0xF  }
0x1c: {  	s21 =	simm.s32 $0x10;
	[dreg:$0x6] =	wrdreg s0;
	s0 =	sshrl.u32 @!p0 s2, $0x3  }
0x1d: {  	v0 =	vlaneseq.u32;
	s22 =	simm.s32 $0x0;
	[dreg:$0x17] =	wrdreg s0;
	s0 =	simm.s32 $0x8D40  }
.LBB2_1:
0x1e: {  	s23 =	rddreg [dreg:$0x1]  }
0x1f: {  	v1 =	vor.u32 s3, v0;
	s4 =	simm.s32 @!p0 $0x1C11;
	s26 =	rddreg [dreg:$0x17]  }
0x20: {  	v2 =	vmul.u32 $0x3, v1;
	[spmem:s26], [sflag:s4] =	dma.local @!p0 [hbm:s23], $0x3E80  }
0x21: {  	s23 =	simm.s32 $0x12;
	s4 =	rddreg [dreg:$0x6]  }
0x22: {  	[tilespmem:s3], [sflag:$0x12] =	stream.linear.gather [hbm4b:s4+s3], $0x600, $0x38;
	[tilespmem:$0x12D40] =	vst v63  }
0x23: {  	_ =	swait.ge [sflag:s23], $0x600  }
0x24: {  	v3 =	vadd.s32 $0x1, v2;
	[sflag:s23] =	ssyncset.done $0x0  }
0x25: {  	v4 =	vadd.s32 $0x2, v2;
	[sflag:s23] =	ssyncadd.s32 $0xFFFFFA00  }
0x26: {  	v2 =	vld.idx.msk [tilespmem:v2+s3+$0x0], $0xffff  }
0x27: {  	v5 =	vshll.u32 v1, $0x2;
	_ =	sdelay $0x1  }
0x28: {  	v3 =	vld.idx.msk [tilespmem:v3+s3+$0x0], $0xffff  }
0x29: {  	s26 =	simm.s32 $0x10;
	v7 =	vor.u32 $0x1, v5;
	v6 =	vld.idx.msk [tilespmem:v4+s3+$0x0], $0xffff  }
0x2a: {  	v8 =	vor.u32 $0x2, v5;
	v1 =	vor.u32 s26, v0;
	v4 =	vshll.u32 v2, $0x1  }
0x2b: {  	v2 =	vmul.u32 $0x3, v1;
	[tilespmem:v5+s24+$0x0] =	vst.idx.msk $0xffff, v4;
	v4 =	vor.u32 $0x3, v5;
	_ =	sdelay $0x1  }
0x2c: {  	v3 =	vshll.u32 v3, $0x1;
	v5 =	vadd.s32 $0x1, v2  }
0x2d: {  	v9 =	vshll.u32 v6, $0x1;
	[tilespmem:v7+s24+$0x0] =	vst.idx.msk $0xffff, v3;
	v3 =	vadd.s32 $0x2, v2  }
0x2e: {  	s4 =	simm.s32 $0x20;
	v6 =	vor.u32 $0x1, v9;
	[tilespmem:v8+s24+$0x0] =	vst.idx.msk $0xffff, v9  }
.LBB2_2:
0x2f: {  	p1 =	sne.s32 s4, $0x1F0;
	[tilespmem:v4+s24+$0x0] =	vst.idx.msk $0xffff, v6;
	s23 =	smov.u32 s4;
	s4 =	sadd.s32 $0x10, s4  }
0x30: {  	v6 =	vld.idx.msk [tilespmem:v2+s3+$0x0], $0xffff  }
0x31: {  	v7 =	vld.idx.msk [tilespmem:v5+s3+$0x0], $0xffff  }
0x32: {  	v9 =	vshll.u32 v1, $0x2;
	v8 =	vld.idx.msk [tilespmem:v3+s3+$0x0], $0xffff  }
0x33: {  	v10 =	vor.u32 $0x1, v9  }
0x34: {  	v1 =	vor.u32 s23, v0;
	v11 =	vor.u32 $0x2, v9  }
.Ltmp0:
0x35: {  	v4 =	vor.u32 $0x3, v9;
	v2 =	vmul.u32 $0x3, v1;
	(pc) =	sbr.rel @p1 .LBB2_2-.Ltmp0, $4  }
0x36: {  	v6 =	vshll.u32 v6, $0x1  }
0x37: {  	v5 =	vadd.s32 $0x1, v2;
	v3 =	vadd.s32 $0x2, v2;
	v7 =	vshll.u32 v7, $0x1;
	[tilespmem:v9+s24+$0x0] =	vst.idx.msk $0xffff, v6  }
0x38: {  	v8 =	vshll.u32 v8, $0x1;
	[tilespmem:v10+s24+$0x0] =	vst.idx.msk $0xffff, v7  }
0x39: {  	v6 =	vor.u32 $0x1, v8;
	[tilespmem:v11+s24+$0x0] =	vst.idx.msk $0xffff, v8  }
0x3a: {  	_ =	sdelay $0x3  }
0x3b: {  	[tilespmem:v4+s24+$0x0] =	vst.idx.msk $0xffff, v6  }
0x3c: {  	v2 =	vld.idx.msk [tilespmem:v2+s3+$0x0], $0xffff  }
0x3d: {  	v1 =	vshll.u32 v1, $0x2;
	v4 =	vld.idx.msk [tilespmem:v5+s3+$0x0], $0xffff  }
0x3e: {  	v3 =	vld.idx.msk [tilespmem:v3+s3+$0x0], $0xffff;
	v62 =	vor.u32 $0x1, v1  }
0x3f: {  	v63 =	vor.u32 $0x2, v1  }
0x40: {  	v7 =	vor.u32 $0x3, v1  }
0x41: {  	v2 =	vshll.u32 v2, $0x1  }
0x42: {  	v4 =	vshll.u32 v4, $0x1;
	[tilespmem:v1+s24+$0x0] =	vst.idx.msk $0xffff, v2  }
0x43: {  	v1 =	vshll.u32 v3, $0x1;
	[tilespmem:v62+s24+$0x0] =	vst.idx.msk $0xffff, v4  }
0x44: {  	v2 =	vor.u32 $0x1, v1;
	[tilespmem:v63+s24+$0x0] =	vst.idx.msk $0xffff, v1  }
0x45: {  	s4 =	simm.s32 @!p0 $0x11;
	[tilespmem:v7+s24+$0x0] =	vst.idx.msk $0xffff, v2  }
0x46: {  	_ =	swait.ge @!p0 [sflag:s4], $0x3E80  }
0x47: {  	[sflag:s4] =	ssyncset.done @!p0 $0x0  }
0x48: {  	[sflag:s4] =	ssyncadd.s32 @!p0 $0xFFFFC180  }
0x49: {  	s23 =	simm.s32 $0x2D40;
	[bflag:$0x0] =	sbarrier.arrive $0xFFFF  }
0x4a: {  	[tilespmem:s23], [sflag:$0x1] =	stream.indirect.gather [spmem:s2], $0x40, s24, s25, $0xb8;
	[tilespmem:$0x12D40] =	vst v63  }
0x4b: {  	s26 =	simm.s32 $0x680  }
0x4c: {  	[tilespmem:s29], [sflag:$0x2] =	stream.indirect.gather [spmem:s2], $0x40, s26, s25, $0xb8;
	[tilespmem:$0x12D40] =	vst v63  }
0x4d: {  	s26 =	simm.s32 $0x700  }
0x4e: {  	[tilespmem:s31], [sflag:$0x3] =	stream.indirect.gather [spmem:s2], $0x40, s26, s25, $0xb8;
	[tilespmem:$0x12D40] =	vst v63  }
0x4f: {  	s26 =	simm.s32 $0x780  }
0x50: {  	[tilespmem:s0], [sflag:$0x4] =	stream.indirect.gather [spmem:s2], $0x40, s26, s25, $0xb8;
	[tilespmem:$0x12D40] =	vst v63  }
0x51: {  	s26 =	simm.s32 $0x800  }
0x52: {  	[tilespmem:s30], [sflag:$0x5] =	stream.indirect.gather [spmem:s2], $0x40, s26, s25, $0xb8;
	[tilespmem:$0x12D40] =	vst v63  }
0x53: {  	_ =	swait.ge [sflag:s1], $0x2000  }
0x54: {  	[sflag:s1] =	ssyncset.done $0x0  }
0x55: {  	s26 =	rddreg [dreg:$0x5];
	[sflag:s1] =	ssyncadd.s32 $0xFFFFE000  }
0x56: {  	[hbm4b:s26+s3] =	stream.linear.scatter [tilespmem:s23], [sflag:$0x9], $0x2000, $0x38;
	[tilespmem:$0x12D40] =	vst v63  }
0x57: {  	s26 =	simm.s32 $0x880  }
0x58: {  	[tilespmem:s28], [sflag:$0x6] =	stream.indirect.gather [spmem:s2], $0x40, s26, s25, $0xb8;
	[tilespmem:$0x12D40] =	vst v63  }
0x59: {  	_ =	swait.ge [sflag:s5], $0x2000  }
0x5a: {  	[sflag:s5] =	ssyncset.done $0x0  }
0x5b: {  	s26 =	rddreg [dreg:$0x7];
	[sflag:s5] =	ssyncadd.s32 $0xFFFFE000  }
0x5c: {  	[hbm4b:s26+s3] =	stream.linear.scatter [tilespmem:s29], [sflag:$0xA], $0x2000, $0x38;
	[tilespmem:$0x12D40] =	vst v63  }
0x5d: {  	s26 =	simm.s32 $0x900  }
0x5e: {  	[tilespmem:s6], [sflag:$0x7] =	stream.indirect.gather [spmem:s2], $0x40, s26, s25, $0xb8;
	[tilespmem:$0x12D40] =	vst v63  }
0x5f: {  	_ =	swait.ge [sflag:s7], $0x2000  }
0x60: {  	[sflag:s7] =	ssyncset.done $0x0  }
0x61: {  	s26 =	rddreg [dreg:$0x8];
	[sflag:s7] =	ssyncadd.s32 $0xFFFFE000  }
0x62: {  	[hbm4b:s26+s3] =	stream.linear.scatter [tilespmem:s31], [sflag:$0xB], $0x2000, $0x38;
	[tilespmem:$0x12D40] =	vst v63  }
0x63: {  	s26 =	simm.s32 $0x980  }
0x64: {  	[tilespmem:s8], [sflag:$0x8] =	stream.indirect.gather [spmem:s2], $0x40, s26, s25, $0xb8;
	[tilespmem:$0x12D40] =	vst v63  }
0x65: {  	_ =	swait.ge [sflag:s9], $0x2000  }
0x66: {  	[sflag:s9] =	ssyncset.done $0x0  }
0x67: {  	s26 =	rddreg [dreg:$0x9];
	[sflag:s9] =	ssyncadd.s32 $0xFFFFE000  }
0x68: {  	[hbm4b:s26+s3] =	stream.linear.scatter [tilespmem:s0], [sflag:$0xC], $0x2000, $0x38;
	[tilespmem:$0x12D40] =	vst v63  }
0x69: {  	_ =	swait.ge [sflag:s10], $0x2000  }
0x6a: {  	[sflag:s10] =	ssyncset.done $0x0  }
0x6b: {  	s26 =	simm.s32 $0xA00;
	[sflag:s10] =	ssyncadd.s32 $0xFFFFE000  }
0x6c: {  	[tilespmem:s23], [sflag:$0x1] =	stream.indirect.gather [spmem:s2], $0x40, s26, s25, $0xb8;
	[tilespmem:$0x12D40] =	vst v63  }
0x6d: {  	_ =	swait.ge [sflag:s11], $0x2000  }
0x6e: {  	[sflag:s11] =	ssyncset.done $0x0  }
0x6f: {  	s26 =	rddreg [dreg:$0xa];
	[sflag:s11] =	ssyncadd.s32 $0xFFFFE000  }
0x70: {  	[hbm4b:s26+s3] =	stream.linear.scatter [tilespmem:s30], [sflag:$0xD], $0x2000, $0x38;
	[tilespmem:$0x12D40] =	vst v63  }
0x71: {  	_ =	swait.ge [sflag:s12], $0x2000  }
0x72: {  	[sflag:s12] =	ssyncset.done $0x0  }
0x73: {  	s26 =	simm.s32 $0xA80;
	[sflag:s12] =	ssyncadd.s32 $0xFFFFE000  }
0x74: {  	[tilespmem:s29], [sflag:$0x2] =	stream.indirect.gather [spmem:s2], $0x40, s26, s25, $0xb8;
	[tilespmem:$0x12D40] =	vst v63  }
0x75: {  	_ =	swait.ge [sflag:s13], $0x2000  }
0x76: {  	[sflag:s13] =	ssyncset.done $0x0  }
0x77: {  	s26 =	rddreg [dreg:$0xb];
	[sflag:s13] =	ssyncadd.s32 $0xFFFFE000  }
0x78: {  	[hbm4b:s26+s3] =	stream.linear.scatter [tilespmem:s28], [sflag:$0xE], $0x2000, $0x38;
	[tilespmem:$0x12D40] =	vst v63  }
0x79: {  	_ =	swait.ge [sflag:s14], $0x2000  }
0x7a: {  	[sflag:s14] =	ssyncset.done $0x0  }
0x7b: {  	s26 =	simm.s32 $0xB00;
	[sflag:s14] =	ssyncadd.s32 $0xFFFFE000  }
0x7c: {  	[tilespmem:s31], [sflag:$0x3] =	stream.indirect.gather [spmem:s2], $0x40, s26, s25, $0xb8;
	[tilespmem:$0x12D40] =	vst v63  }
0x7d: {  	_ =	swait.ge [sflag:s15], $0x2000  }
0x7e: {  	[sflag:s15] =	ssyncset.done $0x0  }
0x7f: {  	s26 =	rddreg [dreg:$0xc];
	[sflag:s15] =	ssyncadd.s32 $0xFFFFE000  }
0x80: {  	[hbm4b:s26+s3] =	stream.linear.scatter [tilespmem:s6], [sflag:$0xF], $0x2000, $0x38;
	[tilespmem:$0x12D40] =	vst v63  }
0x81: {  	_ =	swait.ge [sflag:s16], $0x2000  }
0x82: {  	[sflag:s16] =	ssyncset.done $0x0  }
0x83: {  	s26 =	simm.s32 $0xB80;
	[sflag:s16] =	ssyncadd.s32 $0xFFFFE000  }
0x84: {  	[tilespmem:s0], [sflag:$0x4] =	stream.indirect.gather [spmem:s2], $0x40, s26, s25, $0xb8;
	[tilespmem:$0x12D40] =	vst v63  }
0x85: {  	_ =	swait.ge [sflag:s17], $0x2000  }
0x86: {  	[sflag:s17] =	ssyncset.done $0x0  }
0x87: {  	s26 =	rddreg [dreg:$0xd];
	[sflag:s17] =	ssyncadd.s32 $0xFFFFE000  }
0x88: {  	[hbm4b:s26+s3] =	stream.linear.scatter [tilespmem:s8], [sflag:$0x10], $0x2000, $0x38;
	[tilespmem:$0x12D40] =	vst v63  }
0x89: {  	_ =	swait.ge [sflag:s18], $0x2000  }
0x8a: {  	[sflag:s18] =	ssyncset.done $0x0  }
0x8b: {  	s26 =	simm.s32 $0xC00;
	[sflag:s18] =	ssyncadd.s32 $0xFFFFE000  }
0x8c: {  	[tilespmem:s30], [sflag:$0x5] =	stream.indirect.gather [spmem:s2], $0x40, s26, s25, $0xb8;
	[tilespmem:$0x12D40] =	vst v63  }
0x8d: {  	_ =	swait.ge [sflag:s1], $0x2000  }
0x8e: {  	[sflag:s1] =	ssyncset.done $0x0  }
0x8f: {  	s26 =	rddreg [dreg:$0xe];
	[sflag:s1] =	ssyncadd.s32 $0xFFFFE000  }
0x90: {  	[hbm4b:s26+s3] =	stream.linear.scatter [tilespmem:s23], [sflag:$0x9], $0x2000, $0x38;
	[tilespmem:$0x12D40] =	vst v63  }
0x91: {  	_ =	swait.ge [sflag:s19], $0x2000  }
0x92: {  	[sflag:s19] =	ssyncset.done $0x0  }
0x93: {  	s26 =	simm.s32 $0xC80;
	[sflag:s19] =	ssyncadd.s32 $0xFFFFE000  }
0x94: {  	[tilespmem:s28], [sflag:$0x6] =	stream.indirect.gather [spmem:s2], $0x40, s26, s25, $0xb8;
	[tilespmem:$0x12D40] =	vst v63  }
0x95: {  	_ =	swait.ge [sflag:s5], $0x2000  }
0x96: {  	[sflag:s5] =	ssyncset.done $0x0  }
0x97: {  	s23 =	rddreg [dreg:$0xf];
	[sflag:s5] =	ssyncadd.s32 $0xFFFFE000  }
0x98: {  	[hbm4b:s23+s3] =	stream.linear.scatter [tilespmem:s29], [sflag:$0xA], $0x2000, $0x38;
	[tilespmem:$0x12D40] =	vst v63  }
0x99: {  	_ =	swait.ge [sflag:s20], $0x2000  }
0x9a: {  	[sflag:s20] =	ssyncset.done $0x0  }
0x9b: {  	s26 =	simm.s32 $0xD00;
	[sflag:s20] =	ssyncadd.s32 $0xFFFFE000  }
0x9c: {  	[tilespmem:s6], [sflag:$0x7] =	stream.indirect.gather [spmem:s2], $0x40, s26, s25, $0xb8;
	[tilespmem:$0x12D40] =	vst v63  }
0x9d: {  	_ =	swait.ge [sflag:s7], $0x2000  }
0x9e: {  	[sflag:s7] =	ssyncset.done $0x0  }
0x9f: {  	s23 =	rddreg [dreg:$0x10];
	[sflag:s7] =	ssyncadd.s32 $0xFFFFE000  }
0xa0: {  	[hbm4b:s23+s3] =	stream.linear.scatter [tilespmem:s31], [sflag:$0xB], $0x2000, $0x38;
	[tilespmem:$0x12D40] =	vst v63  }
0xa1: {  	_ =	swait.ge [sflag:s21], $0x2000  }
0xa2: {  	[sflag:s21] =	ssyncset.done $0x0  }
0xa3: {  	s26 =	simm.s32 $0xD80;
	[sflag:s21] =	ssyncadd.s32 $0xFFFFE000  }
0xa4: {  	[tilespmem:s8], [sflag:$0x8] =	stream.indirect.gather [spmem:s2], $0x40, s26, s25, $0xb8;
	[tilespmem:$0x12D40] =	vst v63  }
0xa5: {  	_ =	swait.ge [sflag:s9], $0x2000  }
0xa6: {  	[sflag:s9] =	ssyncset.done $0x0  }
0xa7: {  	s23 =	rddreg [dreg:$0x11];
	[sflag:s9] =	ssyncadd.s32 $0xFFFFE000  }
0xa8: {  	[hbm4b:s23+s3] =	stream.linear.scatter [tilespmem:s0], [sflag:$0xC], $0x2000, $0x38;
	[tilespmem:$0x12D40] =	vst v63  }
0xa9: {  	_ =	swait.ge [sflag:s11], $0x2000  }
0xaa: {  	[sflag:s11] =	ssyncset.done $0x0  }
0xab: {  	s26 =	rddreg [dreg:$0x12];
	[sflag:s11] =	ssyncadd.s32 $0xFFFFE000  }
0xac: {  	[hbm4b:s26+s3] =	stream.linear.scatter [tilespmem:s30], [sflag:$0xD], $0x2000, $0x38;
	[tilespmem:$0x12D40] =	vst v63  }
0xad: {  	_ =	swait.ge [sflag:s13], $0x2000  }
0xae: {  	[sflag:s13] =	ssyncset.done $0x0  }
0xaf: {  	s23 =	rddreg [dreg:$0x13];
	[sflag:s13] =	ssyncadd.s32 $0xFFFFE000  }
0xb0: {  	[hbm4b:s23+s3] =	stream.linear.scatter [tilespmem:s28], [sflag:$0xE], $0x2000, $0x38;
	[tilespmem:$0x12D40] =	vst v63  }
0xb1: {  	_ =	swait.ge [sflag:s15], $0x2000  }
0xb2: {  	[sflag:s15] =	ssyncset.done $0x0  }
0xb3: {  	s26 =	rddreg [dreg:$0x14];
	[sflag:s15] =	ssyncadd.s32 $0xFFFFE000  }
0xb4: {  	[hbm4b:s26+s3] =	stream.linear.scatter [tilespmem:s6], [sflag:$0xF], $0x2000, $0x38;
	[tilespmem:$0x12D40] =	vst v63  }
0xb5: {  	_ =	swait.ge [sflag:s17], $0x2000  }
0xb6: {  	[sflag:s17] =	ssyncset.done $0x0  }
0xb7: {  	s23 =	rddreg [dreg:$0x15];
	[sflag:s17] =	ssyncadd.s32 $0xFFFFE000  }
0xb8: {  	[hbm4b:s23+s3] =	stream.linear.scatter [tilespmem:s8], [sflag:$0x10], $0x2000, $0x38;
	[tilespmem:$0x12D40] =	vst v63  }
0xb9: {  	_ =	swait.ge [sflag:s10], $0x2000  }
0xba: {  	[sflag:s10] =	ssyncset.done $0x0  }
0xbb: {  	[sflag:s10] =	ssyncadd.s32 $0xFFFFE000  }
0xbc: {  	_ =	swait.ge [sflag:s12], $0x2000  }
0xbd: {  	[sflag:s12] =	ssyncset.done $0x0  }
0xbe: {  	[sflag:s12] =	ssyncadd.s32 $0xFFFFE000  }
0xbf: {  	_ =	swait.ge [sflag:s14], $0x2000  }
0xc0: {  	[sflag:s14] =	ssyncset.done $0x0  }
0xc1: {  	[sflag:s14] =	ssyncadd.s32 $0xFFFFE000  }
0xc2: {  	_ =	swait.ge [sflag:s16], $0x2000  }
0xc3: {  	[sflag:s16] =	ssyncset.done $0x0  }
0xc4: {  	[sflag:s16] =	ssyncadd.s32 $0xFFFFE000  }
0xc5: {  	_ =	swait.ge [sflag:s18], $0x2000  }
0xc6: {  	[sflag:s18] =	ssyncset.done $0x0  }
0xc7: {  	[sflag:s18] =	ssyncadd.s32 $0xFFFFE000  }
0xc8: {  	_ =	swait.ge [sflag:s19], $0x2000  }
0xc9: {  	[sflag:s19] =	ssyncset.done $0x0  }
0xca: {  	[sflag:s19] =	ssyncadd.s32 $0xFFFFE000  }
0xcb: {  	_ =	swait.ge [sflag:s20], $0x2000  }
0xcc: {  	[sflag:s20] =	ssyncset.done $0x0  }
0xcd: {  	[sflag:s20] =	ssyncadd.s32 $0xFFFFE000  }
0xce: {  	_ =	swait.ge [sflag:s21], $0x2000  }
0xcf: {  	s22 =	sadd.s32 $0x1, s22;
	s26 =	rddreg [dreg:$0x16]  }
0xd0: {  	p1 =	sne.s32 s22, s26  }
.Ltmp1:
0xd1: {  	_ = 	snop;
	(pc) =	sbr.rel @p1 .LBB2_1-.Ltmp1, $3  }
0xd2: {  	_ =	sdelay $0x1  }
0xd3: {  	[sflag:s21] =	ssyncset.done $0x0  }
0xd4: {  	[sflag:s21] =	ssyncadd.s32 $0xFFFFE000  }
0xd5: {  	_ =	sfence.sel $0x180000  }
0xd6: {  	[bflag:$0x0] =	sbarrier.arrive $0xFFFF  }
0xd7: {  	_ =	strace $0x90000047  }
0xd8: {  	[bflag:$0x2] =	sbarrier.arrive $0xFFFF  }
0xd9: {  	s0 =	rddreg [dreg:$0x4]  }
0xda: {  	s0 =	sadd.s32 @!p0 $0x100000, s0  }
0xdb: {  	[sflag:s0] =	ssyncadd.tile.s32 @!p0 $0x1;
	_ =	shalt  }
.Lfunc_end2:
_tile_overlayer_lowered:
.L_overlay_start_2:
0xdc: {  	(tag) =	ssettag $0x2  }
0xdd: {  	s0 =	rddreg [dreg:$0x0];
	s2 =	stileid.u32  }
0xde: {  	s1 =	rddreg [dreg:$0x1];
	p0 =	sne.s32 s2, $0x0  }
0xdf: {  	s3 =	rddreg [dreg:$0x2];
	[bflag:$0x3] =	sbarrier.arrive $0xFFFF;
	s2 =	simm.s32 @!p0 $0x1C12  }
0xe0: {  	[timem:s3], [sflag:s2] =	dma.local @!p0 [hbm:s0], s1  }
0xe1: {  	s0 =	simm.s32 @!p0 $0x12  }
0xe2: {  	_ =	swait.ge @!p0 [sflag:s0], s1  }
0xe3: {  	s1 =	ssub.s32 @!p0 $0x0, s1;
	[sflag:s0] =	ssyncset.done @!p0 $0x0  }
0xe4: {  	[sflag:s0] =	ssyncadd.s32 @!p0 s1  }
0xe5: {  	[bflag:$0x3] =	sbarrier.arrive $0xFFFF  }
0xe6: {  	_ =	shalt  }

</sc_bundles>
